<compile_context>
chip_gen: v7x
topology: tpu7x:2x2x1
jax: 0.10.2.dev20260603
libtpu: 0.0.44.dev20260713+nightly
codegen_flags: <defaults>
</compile_context>

<pallas_src>
import functools

import jax
import jax.numpy as jnp
from jax import lax
from jax.experimental import pallas as pl
from jax.experimental.pallas import tpu as pltpu
from jax.experimental.pallas import tpu_sc as plsc

NC = 2
NS = 16
LANES = 16


def _xm_body(x_ref, w_ref, o_ref):
    o_ref[...] = jnp.dot(x_ref[...], w_ref[...],
                         preferred_element_type=jnp.float32)


def _em_body(ea_t_ref, w_ref, b_ref, o_ref):
    o_ref[...] = lax.dot_general(
        ea_t_ref[...], w_ref[...], (((0,), (0,)), ((), ())),
        preferred_element_type=jnp.float32) + b_ref[...]


def _epilogue_body(p0_ref, p1_ref, x_ref, ws_ref, wg_ref, wv_ref, o_ref):
    h = p0_ref[0] + p1_ref[0] + jnp.dot(
        x_ref[...], ws_ref[...], preferred_element_type=jnp.float32)
    g = jnp.dot(h, wg_ref[...], preferred_element_type=jnp.float32)
    v = jnp.dot(h, wv_ref[...], preferred_element_type=jnp.float32)
    o_ref[...] = jax.nn.sigmoid(g) * jnp.tanh(v)


def _make_sc_agg(n_pad, n_edges, d_hid, chunk):
    edges_per_tile = n_edges // (NC * NS)
    n_chunks = edges_per_tile // chunk
    rows_per_tile = n_pad // NS
    zrows = rows_per_tile // 8
    n_zcopies = 8

    mesh = plsc.VectorSubcoreMesh(
        core_axis_name="c", subcore_axis_name="s",
        num_cores=NC, num_subcores=NS)

    @functools.partial(
        pl.kernel,
        mesh=mesh,
        out_type=jax.ShapeDtypeStruct((NC, n_pad, d_hid), jnp.float32),
        scratch_types=[
            pltpu.VMEM_SHARED((n_pad, d_hid), jnp.float32),
            pltpu.VMEM((chunk,), jnp.int32),
            pltpu.VMEM((chunk,), jnp.int32),
            pltpu.VMEM((chunk,), jnp.int32),
            pltpu.VMEM((chunk,), jnp.int32),
            pltpu.VMEM((2, chunk, d_hid), jnp.float32),
            pltpu.VMEM((2, chunk, d_hid), jnp.float32),
            pltpu.SemaphoreType.DMA,
            pltpu.SemaphoreType.DMA,
        ],
    )
    def sc_agg(xm_hbm, em_hbm, ei_hbm, out_hbm,
               agg_sh, src0, src1, dst0, dst1, rows_v, em_v,
               gsem0, gsem1):
        c = lax.axis_index("c")
        s = lax.axis_index("s")
        wid = c * NS + s

        def zero_row(r, _):
            for j in range(d_hid // LANES):
                em_v[0, r, pl.ds(j * LANES, LANES)] = jnp.zeros(
                    (LANES,), jnp.float32)
            return _
        lax.fori_loop(0, zrows, zero_row, 0)
        row0 = s * rows_per_tile
        for z in range(n_zcopies):
            pltpu.sync_copy(em_v.at[0, pl.ds(0, zrows)],
                            agg_sh.at[pl.ds(row0 + z * zrows, zrows)])
        plsc.subcore_barrier()

        base_e = wid * edges_per_tile

        sems = (gsem0, gsem1)
        srcs = (src0, src1)
        dsts = (dst0, dst1)

        def start_fetch(k, b):
            pltpu.async_copy(xm_hbm.at[srcs[b]], rows_v.at[b], sems[b])
            eoff = pl.multiple_of(base_e + k * chunk, 8)
            pltpu.async_copy(em_hbm.at[pl.ds(eoff, chunk)], em_v.at[b],
                             sems[b])
            doff = pl.multiple_of(n_edges + base_e + k * chunk, 8)
            pltpu.async_copy(ei_hbm.at[pl.ds(doff, chunk)], dsts[b],
                             sems[b])

            @pl.when(k + 1 < n_chunks)
            def _():
                soff = pl.multiple_of(base_e + (k + 1) * chunk, 8)
                pltpu.async_copy(ei_hbm.at[pl.ds(soff, chunk)],
                                 srcs[1 - b], sems[b])

        def wait_fetch(k, b):
            pltpu.make_async_copy(xm_hbm.at[srcs[b]],
                                  rows_v.at[b], sems[b]).wait()
            pltpu.make_async_copy(em_hbm.at[pl.ds(base_e, chunk)],
                                  em_v.at[b], sems[b]).wait()
            pltpu.make_async_copy(ei_hbm.at[pl.ds(base_e, chunk)],
                                  dsts[b], sems[b]).wait()

            @pl.when(k + 1 < n_chunks)
            def _():
                pltpu.make_async_copy(ei_hbm.at[pl.ds(base_e, chunk)],
                                      srcs[1 - b], sems[b]).wait()

        def half_step(k, b):
            wait_fetch(k, b)

            @pl.when(k + 1 < n_chunks)
            def _():
                start_fetch(k + 1, 1 - b)

            def relu_row(r, carry):
                for j in range(d_hid // LANES):
                    sl = pl.ds(j * LANES, LANES)
                    rows_v[b, r, sl] = jnp.maximum(
                        rows_v[b, r, sl] + em_v[b, r, sl], 0.0)
                return carry
            lax.fori_loop(0, chunk, relu_row, 0)

            pltpu.sync_copy(rows_v.at[b], agg_sh.at[dsts[b]],
                            add=True)

        pltpu.sync_copy(ei_hbm.at[pl.ds(base_e, chunk)], src0)
        start_fetch(0, 0)

        def pair_body(t, carry_in):
            half_step(2 * t, 0)
            half_step(2 * t + 1, 1)
            return carry_in
        lax.fori_loop(0, n_chunks // 2, pair_body, 0)
        if n_chunks % 2:
            half_step(n_chunks - 1, 0)

        plsc.subcore_barrier()
        pltpu.sync_copy(agg_sh.at[pl.ds(row0, rows_per_tile)],
                        out_hbm.at[c, pl.ds(row0, rows_per_tile)])

    return sc_agg


def kernel(x, edge_index, edge_attr, W_msg, W_edge, b_msg, W_self, W_gate,
           W_val):
    n_nodes, d_feat = x.shape
    n_edges = edge_index.shape[1]
    d_edge = edge_attr.shape[1]
    d_hid = W_msg.shape[1]
    d_out = W_gate.shape[1]

    ei_flat = edge_index.reshape(2 * n_edges)

    bn = 2000
    xm = pl.pallas_call(
        _xm_body,
        grid=(n_nodes // bn,),
        in_specs=[pl.BlockSpec((bn, d_feat), lambda i: (i, 0)),
                  pl.BlockSpec((d_feat, d_hid), lambda i: (0, 0))],
        out_specs=pl.BlockSpec((bn, d_hid), lambda i: (i, 0)),
        out_shape=jax.ShapeDtypeStruct((n_nodes, d_hid), jnp.float32),
    )(x, W_msg)

    be = 3200
    em = pl.pallas_call(
        _em_body,
        grid=(n_edges // be,),
        in_specs=[pl.BlockSpec((d_edge, be), lambda i: (0, i)),
                  pl.BlockSpec((d_edge, d_hid), lambda i: (0, 0)),
                  pl.BlockSpec((1, d_hid), lambda i: (0, 0))],
        out_specs=pl.BlockSpec((be, d_hid), lambda i: (i, 0)),
        out_shape=jax.ShapeDtypeStruct((n_edges, d_hid), jnp.float32),
    )(edge_attr.T, W_edge, b_msg.reshape(1, d_hid))

    n_pad = -(-n_nodes // (NS * 8)) * (NS * 8)
    sc_agg = _make_sc_agg(n_pad, n_edges, d_hid, chunk=80)
    partials = sc_agg(xm, em, ei_flat)

    out = pl.pallas_call(
        _epilogue_body,
        grid=(n_nodes // bn,),
        in_specs=[pl.BlockSpec((1, bn, d_hid), lambda i: (0, i, 0)),
                  pl.BlockSpec((1, bn, d_hid), lambda i: (1, i, 0)),
                  pl.BlockSpec((bn, d_feat), lambda i: (i, 0)),
                  pl.BlockSpec((d_feat, d_hid), lambda i: (0, 0)),
                  pl.BlockSpec((d_hid, d_out), lambda i: (0, 0)),
                  pl.BlockSpec((d_hid, d_out), lambda i: (0, 0))],
        out_specs=pl.BlockSpec((bn, d_out), lambda i: (i, 0)),
        out_shape=jax.ShapeDtypeStruct((n_nodes, d_out), jnp.float32),
    )(partials, partials, x, W_self, W_gate, W_val)
    return out

# --- scband reference (transcript-rebuilt; emitter-appended) ---
"""Pipeline reference for scband-gated-conv-neighbors-46308337386341 (READ-ONLY COPY).

The authoritative reference and input builder live on the scoring server;
editing this copy changes nothing except your own understanding.
"""

import jax, jax.numpy as jnp
import numpy as np

N_NODES = 10000
N_EDGES = 320000
D_FEAT = 128
D_EDGE = 16
D_HID = 128
D_OUT = 128


def setup_inputs(seed: int = 0) -> dict:
    key = jax.random.key(seed)
    ks = jax.random.split(key, 10)
    x = jax.random.normal(ks[0], (N_NODES, D_FEAT), dtype=jnp.float32)
    edge_index = jax.random.randint(ks[1], (2, N_EDGES), 0, N_NODES, dtype=jnp.int64 if jax.config.jax_enable_x64 else jnp.int32).astype(jnp.int32)
    edge_attr = jax.random.normal(ks[2], (N_EDGES, D_EDGE), dtype=jnp.float32)
    s = 1.0 / np.sqrt(D_FEAT)
    W_msg = jax.random.normal(ks[3], (D_FEAT, D_HID), dtype=jnp.float32) * s
    W_edge = jax.random.normal(ks[4], (D_EDGE, D_HID), dtype=jnp.float32) * (1.0 / np.sqrt(D_EDGE))
    b_msg = jnp.zeros((D_HID,), dtype=jnp.float32)
    W_self = jax.random.normal(ks[5], (D_FEAT, D_HID), dtype=jnp.float32) * s
    W_gate = jax.random.normal(ks[6], (D_HID, D_OUT), dtype=jnp.float32) * (1.0 / np.sqrt(D_HID))
    W_val = jax.random.normal(ks[7], (D_HID, D_OUT), dtype=jnp.float32) * (1.0 / np.sqrt(D_HID))
    return {"x": x, "edge_index": edge_index, "edge_attr": edge_attr,
            "W_msg": W_msg, "W_edge": W_edge, "b_msg": b_msg,
            "W_self": W_self, "W_gate": W_gate, "W_val": W_val}


def reference(x, edge_index, edge_attr, W_msg, W_edge, b_msg, W_self, W_gate, W_val):
    # Gated message-passing convolution (GatedConvNetwork with MessageConv):
    # 1) per-edge message from source node features + edge attributes
    # 2) scatter-add aggregation to destination nodes
    # 3) gated nonlinearity (sigmoid gate * tanh value) on aggregated + self features
    src = edge_index[0]
    dst = edge_index[1]
    x_src = jnp.take(x, src, axis=0)                       # gather [E, D_FEAT]
    msg = jax.nn.relu(x_src @ W_msg + edge_attr @ W_edge + b_msg)  # [E, D_HID]
    agg = jax.ops.segment_sum(msg, dst, num_segments=x.shape[0])   # scatter-add [N, D_HID]
    h = agg + x @ W_self
    out = jax.nn.sigmoid(h @ W_gate) * jnp.tanh(h @ W_val)
    return out

if __name__ == "__main__":
    import jax
    _d = setup_inputs()
    print(jax.jit(kernel)(*tuple(_d.values())))

</pallas_src>

<mosaic_0001>
#map = affine_map<(d0, d1) -> (0, 0)>
#map1 = affine_map<(d0, d1) -> (0)>
#map2 = affine_map<(d0, d1) -> (0, 0, 0)>
module attributes {stable_mosaic.version = 14 : i64} {
  func.func @sc_agg(%arg0: i32, %arg1: i32, %arg2: memref<10000x128xf32, #tpu.memory_space<hbm>>, %arg3: memref<320000x128xf32, #tpu.memory_space<hbm>>, %arg4: memref<640000xi32, #tpu.memory_space<hbm>>, %arg5: memref<2x10112x128xf32, #tpu.memory_space<hbm>>, %arg6: memref<10112x128xf32, #tpu.memory_space<vmem_shared>>, %arg7: memref<80xi32, #tpu.memory_space<vmem>>, %arg8: memref<80xi32, #tpu.memory_space<vmem>>, %arg9: memref<80xi32, #tpu.memory_space<vmem>>, %arg10: memref<80xi32, #tpu.memory_space<vmem>>, %arg11: memref<2x80x128xf32, #tpu.memory_space<vmem>>, %arg12: memref<2x80x128xf32, #tpu.memory_space<vmem>>, %arg13: memref<!tpu.dma_semaphore, #tpu.memory_space<semaphore_mem>>, %arg14: memref<!tpu.dma_semaphore, #tpu.memory_space<semaphore_mem>>) attributes {dimension_semantics = [#tpu.dimension_semantics<core_parallel>, #tpu.dimension_semantics<subcore_parallel>], iteration_bounds = array<i64: 2, 16>, scalar_prefetch = 0 : i64, scratch_operands = 9 : i64, tpu.core_type = #tpu.core_type<sc_vector_subcore>, window_params = [{transform_indices = #map}, {transform_indices = #map}, {transform_indices = #map1}, {transform_indices = #map2}]} {
    %mul3A = arith.constant 16 : i32
    %mul3A_0 = arith.muli %arg0, %mul3A : i32
    %add3A = arith.addi %mul3A_0, %arg1 : i32
    %scan3A = arith.constant 0 : i32
    %scan3A_1 = arith.constant 0 : i32
    %scan3A_2 = arith.constant 79 : i32
    %scan3A_3 = arith.addi %scan3A_1, %scan3A_2 : i32
    %scan3A_4 = arith.constant 1 : i32
    scf.for %scan3A_103 = %scan3A_1 to %scan3A_3 step %scan3A_4  : i32 {
      %broadcast_in_dim3A = arith.constant 0.000000e+00 : f32
      %broadcast_in_dim3A_104 = vector.broadcast %broadcast_in_dim3A : f32 to vector<16xf32>
      %swap3A = arith.constant 0 : i32
      %swap3A_105 = arith.index_cast %swap3A : i32 to index
      %swap3A_106 = arith.index_cast %scan3A_103 : i32 to index
      %swap3A_107 = arith.constant 0 : index
      %swap3A_108 = tpu.vector_load %arg12[%swap3A_105, %swap3A_106, %swap3A_107] {strides = array<i32>} : memref<2x80x128xf32, #tpu.memory_space<vmem>>, vector<1x1x16xf32>,
      %swap3A_109 = vector.shape_cast %swap3A_108 : vector<1x1x16xf32> to vector<16xf32>
      %swap3A_110 = vector.shape_cast %broadcast_in_dim3A_104 : vector<16xf32> to vector<1x1x16xf32>
      tpu.vector_store %arg12[%swap3A_105, %swap3A_106, %swap3A_107], %swap3A_110 {strides = array<i32>} : memref<2x80x128xf32, #tpu.memory_space<vmem>>, vector<1x1x16xf32>,
      %broadcast_in_dim3A_111 = arith.constant 0.000000e+00 : f32
      %broadcast_in_dim3A_112 = vector.broadcast %broadcast_in_dim3A_111 : f32 to vector<16xf32>
      %swap3A_113 = arith.constant 0 : i32
      %swap3A_114 = arith.index_cast %swap3A_113 : i32 to index
      %swap3A_115 = arith.index_cast %scan3A_103 : i32 to index
      %swap3A_116 = arith.constant 16 : index
      %swap3A_117 = tpu.vector_load %arg12[%swap3A_114, %swap3A_115, %swap3A_116] {strides = array<i32>} : memref<2x80x128xf32, #tpu.memory_space<vmem>>, vector<1x1x16xf32>,
      %swap3A_118 = vector.shape_cast %swap3A_117 : vector<1x1x16xf32> to vector<16xf32>
      %swap3A_119 = vector.shape_cast %broadcast_in_dim3A_112 : vector<16xf32> to vector<1x1x16xf32>
      tpu.vector_store %arg12[%swap3A_114, %swap3A_115, %swap3A_116], %swap3A_119 {strides = array<i32>} : memref<2x80x128xf32, #tpu.memory_space<vmem>>, vector<1x1x16xf32>,
      %broadcast_in_dim3A_120 = arith.constant 0.000000e+00 : f32
      %broadcast_in_dim3A_121 = vector.broadcast %broadcast_in_dim3A_120 : f32 to vector<16xf32>
      %swap3A_122 = arith.constant 0 : i32
      %swap3A_123 = arith.index_cast %swap3A_122 : i32 to index
      %swap3A_124 = arith.index_cast %scan3A_103 : i32 to index
      %swap3A_125 = arith.constant 32 : index
      %swap3A_126 = tpu.vector_load %arg12[%swap3A_123, %swap3A_124, %swap3A_125] {strides = array<i32>} : memref<2x80x128xf32, #tpu.memory_space<vmem>>, vector<1x1x16xf32>,
      %swap3A_127 = vector.shape_cast %swap3A_126 : vector<1x1x16xf32> to vector<16xf32>
      %swap3A_128 = vector.shape_cast %broadcast_in_dim3A_121 : vector<16xf32> to vector<1x1x16xf32>
      tpu.vector_store %arg12[%swap3A_123, %swap3A_124, %swap3A_125], %swap3A_128 {strides = array<i32>} : memref<2x80x128xf32, #tpu.memory_space<vmem>>, vector<1x1x16xf32>,
      %broadcast_in_dim3A_129 = arith.constant 0.000000e+00 : f32
      %broadcast_in_dim3A_130 = vector.broadcast %broadcast_in_dim3A_129 : f32 to vector<16xf32>
      %swap3A_131 = arith.constant 0 : i32
      %swap3A_132 = arith.index_cast %swap3A_131 : i32 to index
      %swap3A_133 = arith.index_cast %scan3A_103 : i32 to index
      %swap3A_134 = arith.constant 48 : index
      %swap3A_135 = tpu.vector_load %arg12[%swap3A_132, %swap3A_133, %swap3A_134] {strides = array<i32>} : memref<2x80x128xf32, #tpu.memory_space<vmem>>, vector<1x1x16xf32>,
      %swap3A_136 = vector.shape_cast %swap3A_135 : vector<1x1x16xf32> to vector<16xf32>
      %swap3A_137 = vector.shape_cast %broadcast_in_dim3A_130 : vector<16xf32> to vector<1x1x16xf32>
      tpu.vector_store %arg12[%swap3A_132, %swap3A_133, %swap3A_134], %swap3A_137 {strides = array<i32>} : memref<2x80x128xf32, #tpu.memory_space<vmem>>, vector<1x1x16xf32>,
      %broadcast_in_dim3A_138 = arith.constant 0.000000e+00 : f32
      %broadcast_in_dim3A_139 = vector.broadcast %broadcast_in_dim3A_138 : f32 to vector<16xf32>
      %swap3A_140 = arith.constant 0 : i32
      %swap3A_141 = arith.index_cast %swap3A_140 : i32 to index
      %swap3A_142 = arith.index_cast %scan3A_103 : i32 to index
      %swap3A_143 = arith.constant 64 : index
      %swap3A_144 = tpu.vector_load %arg12[%swap3A_141, %swap3A_142, %swap3A_143] {strides = array<i32>} : memref<2x80x128xf32, #tpu.memory_space<vmem>>, vector<1x1x16xf32>,
      %swap3A_145 = vector.shape_cast %swap3A_144 : vector<1x1x16xf32> to vector<16xf32>
      %swap3A_146 = vector.shape_cast %broadcast_in_dim3A_139 : vector<16xf32> to vector<1x1x16xf32>
      tpu.vector_store %arg12[%swap3A_141, %swap3A_142, %swap3A_143], %swap3A_146 {strides = array<i32>} : memref<2x80x128xf32, #tpu.memory_space<vmem>>, vector<1x1x16xf32>,
      %broadcast_in_dim3A_147 = arith.constant 0.000000e+00 : f32
      %broadcast_in_dim3A_148 = vector.broadcast %broadcast_in_dim3A_147 : f32 to vector<16xf32>
      %swap3A_149 = arith.constant 0 : i32
      %swap3A_150 = arith.index_cast %swap3A_149 : i32 to index
      %swap3A_151 = arith.index_cast %scan3A_103 : i32 to index
      %swap3A_152 = arith.constant 80 : index
      %swap3A_153 = tpu.vector_load %arg12[%swap3A_150, %swap3A_151, %swap3A_152] {strides = array<i32>} : memref<2x80x128xf32, #tpu.memory_space<vmem>>, vector<1x1x16xf32>,
      %swap3A_154 = vector.shape_cast %swap3A_153 : vector<1x1x16xf32> to vector<16xf32>
      %swap3A_155 = vector.shape_cast %broadcast_in_dim3A_148 : vector<16xf32> to vector<1x1x16xf32>
      tpu.vector_store %arg12[%swap3A_150, %swap3A_151, %swap3A_152], %swap3A_155 {strides = array<i32>} : memref<2x80x128xf32, #tpu.memory_space<vmem>>, vector<1x1x16xf32>,
      %broadcast_in_dim3A_156 = arith.constant 0.000000e+00 : f32
      %broadcast_in_dim3A_157 = vector.broadcast %broadcast_in_dim3A_156 : f32 to vector<16xf32>
      %swap3A_158 = arith.constant 0 : i32
      %swap3A_159 = arith.index_cast %swap3A_158 : i32 to index
      %swap3A_160 = arith.index_cast %scan3A_103 : i32 to index
      %swap3A_161 = arith.constant 96 : index
      %swap3A_162 = tpu.vector_load %arg12[%swap3A_159, %swap3A_160, %swap3A_161] {strides = array<i32>} : memref<2x80x128xf32, #tpu.memory_space<vmem>>, vector<1x1x16xf32>,
      %swap3A_163 = vector.shape_cast %swap3A_162 : vector<1x1x16xf32> to vector<16xf32>
      %swap3A_164 = vector.shape_cast %broadcast_in_dim3A_157 : vector<16xf32> to vector<1x1x16xf32>
      tpu.vector_store %arg12[%swap3A_159, %swap3A_160, %swap3A_161], %swap3A_164 {strides = array<i32>} : memref<2x80x128xf32, #tpu.memory_space<vmem>>, vector<1x1x16xf32>,
      %broadcast_in_dim3A_165 = arith.constant 0.000000e+00 : f32
      %broadcast_in_dim3A_166 = vector.broadcast %broadcast_in_dim3A_165 : f32 to vector<16xf32>
      %swap3A_167 = arith.constant 0 : i32
      %swap3A_168 = arith.index_cast %swap3A_167 : i32 to index
      %swap3A_169 = arith.index_cast %scan3A_103 : i32 to index
      %swap3A_170 = arith.constant 112 : index
      %swap3A_171 = tpu.vector_load %arg12[%swap3A_168, %swap3A_169, %swap3A_170] {strides = array<i32>} : memref<2x80x128xf32, #tpu.memory_space<vmem>>, vector<1x1x16xf32>,
      %swap3A_172 = vector.shape_cast %swap3A_171 : vector<1x1x16xf32> to vector<16xf32>
      %swap3A_173 = vector.shape_cast %broadcast_in_dim3A_166 : vector<16xf32> to vector<1x1x16xf32>
      tpu.vector_store %arg12[%swap3A_168, %swap3A_169, %swap3A_170], %swap3A_173 {strides = array<i32>} : memref<2x80x128xf32, #tpu.memory_space<vmem>>, vector<1x1x16xf32>,
    }
    %scan3A_5 = arith.constant 79 : i32
    %mul3A_6 = arith.constant 632 : i32
    %mul3A_7 = arith.muli %arg1, %mul3A_6 : i32
    %add3A_8 = arith.constant 0 : i32
    %add3A_9 = arith.addi %mul3A_7, %add3A_8 : i32
    %run_scoped3A = arith.constant 0 : i32
    "tpu.region"() ({
      %run_scoped3A_103 = tpu.sem_alloc : memref<!tpu.dma_semaphore, #tpu.memory_space<semaphore_mem>>
      %dma_start3A_104 = arith.constant 0 : i32
      %dma_start3A_105 = arith.constant 0 : i32
      %dma_start3A_106 = tpu.memref_slice %arg12[%run_scoped3A, %dma_start3A_104, %dma_start3A_105] : memref<2x80x128xf32, #tpu.memory_space<vmem>> -> memref<1x79x128xf32, #tpu.memory_space<vmem>>
      %dma_start3A_107 = tpu.memref_squeeze %dma_start3A_106 : memref<1x79x128xf32, #tpu.memory_space<vmem>> -> memref<79x128xf32, #tpu.memory_space<vmem>>
      %dma_start3A_108 = arith.constant 0 : i32
      %dma_start3A_109 = tpu.memref_slice %arg6[%add3A_9, %dma_start3A_108] : memref<10112x128xf32, #tpu.memory_space<vmem_shared>> -> memref<79x128xf32, #tpu.memory_space<vmem_shared>>
      %dma_start3A_110 = arith.constant 0 : i32
      %dma_start3A_111 = tpu.memref_slice %arg6[%add3A_9, %dma_start3A_110] : memref<10112x128xf32, #tpu.memory_space<vmem_shared>> -> memref<79x128xf32, #tpu.memory_space<vmem_shared>>
      %dma_start3A_112 = arith.constant 0 : i32
      %dma_start3A_113 = arith.constant 0 : i32
      %dma_start3A_114 = tpu.memref_slice %arg12[%run_scoped3A, %dma_start3A_112, %dma_start3A_113] : memref<2x80x128xf32, #tpu.memory_space<vmem>> -> memref<1x79x128xf32, #tpu.memory_space<vmem>>
      %dma_start3A_115 = tpu.memref_squeeze %dma_start3A_114 : memref<1x79x128xf32, #tpu.memory_space<vmem>> -> memref<79x128xf32, #tpu.memory_space<vmem>>
      tpu.enqueue_dma source(%dma_start3A_115 : memref<79x128xf32, #tpu.memory_space<vmem>>) target(%dma_start3A_111 : memref<79x128xf32, #tpu.memory_space<vmem_shared>>) target_semaphore(%run_scoped3A_103 : memref<!tpu.dma_semaphore, #tpu.memory_space<semaphore_mem>>)
      %dma_wait3A_116 = arith.constant 0 : i32
      %dma_wait3A_117 = arith.constant 0 : i32
      %dma_wait3A_118 = tpu.memref_slice %arg12[%run_scoped3A, %dma_wait3A_116, %dma_wait3A_117] : memref<2x80x128xf32, #tpu.memory_space<vmem>> -> memref<1x79x128xf32, #tpu.memory_space<vmem>>
      %dma_wait3A_119 = tpu.memref_squeeze %dma_wait3A_118 : memref<1x79x128xf32, #tpu.memory_space<vmem>> -> memref<79x128xf32, #tpu.memory_space<vmem>>
      %dma_wait3A_120 = arith.constant 0 : i32
      %dma_wait3A_121 = tpu.memref_slice %arg6[%add3A_9, %dma_wait3A_120] : memref<10112x128xf32, #tpu.memory_space<vmem_shared>> -> memref<79x128xf32, #tpu.memory_space<vmem_shared>>
      %dma_wait3A_122 = arith.constant 0 : i32
      %dma_wait3A_123 = tpu.memref_slice %arg6[%add3A_9, %dma_wait3A_122] : memref<10112x128xf32, #tpu.memory_space<vmem_shared>> -> memref<79x128xf32, #tpu.memory_space<vmem_shared>>
      %dma_wait3A_124 = arith.constant 0 : i32
      %dma_wait3A_125 = arith.constant 0 : i32
      %dma_wait3A_126 = tpu.memref_slice %arg12[%run_scoped3A, %dma_wait3A_124, %dma_wait3A_125] : memref<2x80x128xf32, #tpu.memory_space<vmem>> -> memref<1x79x128xf32, #tpu.memory_space<vmem>>
      %dma_wait3A_127 = tpu.memref_squeeze %dma_wait3A_126 : memref<1x79x128xf32, #tpu.memory_space<vmem>> -> memref<79x128xf32, #tpu.memory_space<vmem>>
      tpu.wait_dma2 semaphore(%run_scoped3A_103 : memref<!tpu.dma_semaphore, #tpu.memory_space<semaphore_mem>>) src(%dma_wait3A_127 : memref<79x128xf32, #tpu.memory_space<vmem>>) dst(%dma_wait3A_123 : memref<79x128xf32, #tpu.memory_space<vmem_shared>>)
      tpu.yield
    }) : () -> ()
    %add3A_10 = arith.constant 79 : i32
    %add3A_11 = arith.addi %mul3A_7, %add3A_10 : i32
    %run_scoped3A_12 = arith.constant 0 : i32
    "tpu.region"() ({
      %run_scoped3A_103 = tpu.sem_alloc : memref<!tpu.dma_semaphore, #tpu.memory_space<semaphore_mem>>
      %dma_start3A_104 = arith.constant 0 : i32
      %dma_start3A_105 = arith.constant 0 : i32
      %dma_start3A_106 = tpu.memref_slice %arg12[%run_scoped3A_12, %dma_start3A_104, %dma_start3A_105] : memref<2x80x128xf32, #tpu.memory_space<vmem>> -> memref<1x79x128xf32, #tpu.memory_space<vmem>>
      %dma_start3A_107 = tpu.memref_squeeze %dma_start3A_106 : memref<1x79x128xf32, #tpu.memory_space<vmem>> -> memref<79x128xf32, #tpu.memory_space<vmem>>
      %dma_start3A_108 = arith.constant 0 : i32
      %dma_start3A_109 = tpu.memref_slice %arg6[%add3A_11, %dma_start3A_108] : memref<10112x128xf32, #tpu.memory_space<vmem_shared>> -> memref<79x128xf32, #tpu.memory_space<vmem_shared>>
      %dma_start3A_110 = arith.constant 0 : i32
      %dma_start3A_111 = tpu.memref_slice %arg6[%add3A_11, %dma_start3A_110] : memref<10112x128xf32, #tpu.memory_space<vmem_shared>> -> memref<79x128xf32, #tpu.memory_space<vmem_shared>>
      %dma_start3A_112 = arith.constant 0 : i32
      %dma_start3A_113 = arith.constant 0 : i32
      %dma_start3A_114 = tpu.memref_slice %arg12[%run_scoped3A_12, %dma_start3A_112, %dma_start3A_113] : memref<2x80x128xf32, #tpu.memory_space<vmem>> -> memref<1x79x128xf32, #tpu.memory_space<vmem>>
      %dma_start3A_115 = tpu.memref_squeeze %dma_start3A_114 : memref<1x79x128xf32, #tpu.memory_space<vmem>> -> memref<79x128xf32, #tpu.memory_space<vmem>>
      tpu.enqueue_dma source(%dma_start3A_115 : memref<79x128xf32, #tpu.memory_space<vmem>>) target(%dma_start3A_111 : memref<79x128xf32, #tpu.memory_space<vmem_shared>>) target_semaphore(%run_scoped3A_103 : memref<!tpu.dma_semaphore, #tpu.memory_space<semaphore_mem>>)
      %dma_wait3A_116 = arith.constant 0 : i32
      %dma_wait3A_117 = arith.constant 0 : i32
      %dma_wait3A_118 = tpu.memref_slice %arg12[%run_scoped3A_12, %dma_wait3A_116, %dma_wait3A_117] : memref<2x80x128xf32, #tpu.memory_space<vmem>> -> memref<1x79x128xf32, #tpu.memory_space<vmem>>
      %dma_wait3A_119 = tpu.memref_squeeze %dma_wait3A_118 : memref<1x79x128xf32, #tpu.memory_space<vmem>> -> memref<79x128xf32, #tpu.memory_space<vmem>>
      %dma_wait3A_120 = arith.constant 0 : i32
      %dma_wait3A_121 = tpu.memref_slice %arg6[%add3A_11, %dma_wait3A_120] : memref<10112x128xf32, #tpu.memory_space<vmem_shared>> -> memref<79x128xf32, #tpu.memory_space<vmem_shared>>
      %dma_wait3A_122 = arith.constant 0 : i32
      %dma_wait3A_123 = tpu.memref_slice %arg6[%add3A_11, %dma_wait3A_122] : memref<10112x128xf32, #tpu.memory_space<vmem_shared>> -> memref<79x128xf32, #tpu.memory_space<vmem_shared>>
      %dma_wait3A_124 = arith.constant 0 : i32
      %dma_wait3A_125 = arith.constant 0 : i32
      %dma_wait3A_126 = tpu.memref_slice %arg12[%run_scoped3A_12, %dma_wait3A_124, %dma_wait3A_125] : memref<2x80x128xf32, #tpu.memory_space<vmem>> -> memref<1x79x128xf32, #tpu.memory_space<vmem>>
      %dma_wait3A_127 = tpu.memref_squeeze %dma_wait3A_126 : memref<1x79x128xf32, #tpu.memory_space<vmem>> -> memref<79x128xf32, #tpu.memory_space<vmem>>
      tpu.wait_dma2 semaphore(%run_scoped3A_103 : memref<!tpu.dma_semaphore, #tpu.memory_space<semaphore_mem>>) src(%dma_wait3A_127 : memref<79x128xf32, #tpu.memory_space<vmem>>) dst(%dma_wait3A_123 : memref<79x128xf32, #tpu.memory_space<vmem_shared>>)
      tpu.yield
    }) : () -> ()
    %add3A_13 = arith.constant 158 : i32
    %add3A_14 = arith.addi %mul3A_7, %add3A_13 : i32
    %run_scoped3A_15 = arith.constant 0 : i32
    "tpu.region"() ({
      %run_scoped3A_103 = tpu.sem_alloc : memref<!tpu.dma_semaphore, #tpu.memory_space<semaphore_mem>>
      %dma_start3A_104 = arith.constant 0 : i32
      %dma_start3A_105 = arith.constant 0 : i32
      %dma_start3A_106 = tpu.memref_slice %arg12[%run_scoped3A_15, %dma_start3A_104, %dma_start3A_105] : memref<2x80x128xf32, #tpu.memory_space<vmem>> -> memref<1x79x128xf32, #tpu.memory_space<vmem>>
      %dma_start3A_107 = tpu.memref_squeeze %dma_start3A_106 : memref<1x79x128xf32, #tpu.memory_space<vmem>> -> memref<79x128xf32, #tpu.memory_space<vmem>>
      %dma_start3A_108 = arith.constant 0 : i32
      %dma_start3A_109 = tpu.memref_slice %arg6[%add3A_14, %dma_start3A_108] : memref<10112x128xf32, #tpu.memory_space<vmem_shared>> -> memref<79x128xf32, #tpu.memory_space<vmem_shared>>
      %dma_start3A_110 = arith.constant 0 : i32
      %dma_start3A_111 = tpu.memref_slice %arg6[%add3A_14, %dma_start3A_110] : memref<10112x128xf32, #tpu.memory_space<vmem_shared>> -> memref<79x128xf32, #tpu.memory_space<vmem_shared>>
      %dma_start3A_112 = arith.constant 0 : i32
      %dma_start3A_113 = arith.constant 0 : i32
      %dma_start3A_114 = tpu.memref_slice %arg12[%run_scoped3A_15, %dma_start3A_112, %dma_start3A_113] : memref<2x80x128xf32, #tpu.memory_space<vmem>> -> memref<1x79x128xf32, #tpu.memory_space<vmem>>
      %dma_start3A_115 = tpu.memref_squeeze %dma_start3A_114 : memref<1x79x128xf32, #tpu.memory_space<vmem>> -> memref<79x128xf32, #tpu.memory_space<vmem>>
      tpu.enqueue_dma source(%dma_start3A_115 : memref<79x128xf32, #tpu.memory_space<vmem>>) target(%dma_start3A_111 : memref<79x128xf32, #tpu.memory_space<vmem_shared>>) target_semaphore(%run_scoped3A_103 : memref<!tpu.dma_semaphore, #tpu.memory_space<semaphore_mem>>)
      %dma_wait3A_116 = arith.constant 0 : i32
      %dma_wait3A_117 = arith.constant 0 : i32
      %dma_wait3A_118 = tpu.memref_slice %arg12[%run_scoped3A_15, %dma_wait3A_116, %dma_wait3A_117] : memref<2x80x128xf32, #tpu.memory_space<vmem>> -> memref<1x79x128xf32, #tpu.memory_space<vmem>>
      %dma_wait3A_119 = tpu.memref_squeeze %dma_wait3A_118 : memref<1x79x128xf32, #tpu.memory_space<vmem>> -> memref<79x128xf32, #tpu.memory_space<vmem>>
      %dma_wait3A_120 = arith.constant 0 : i32
      %dma_wait3A_121 = tpu.memref_slice %arg6[%add3A_14, %dma_wait3A_120] : memref<10112x128xf32, #tpu.memory_space<vmem_shared>> -> memref<79x128xf32, #tpu.memory_space<vmem_shared>>
      %dma_wait3A_122 = arith.constant 0 : i32
      %dma_wait3A_123 = tpu.memref_slice %arg6[%add3A_14, %dma_wait3A_122] : memref<10112x128xf32, #tpu.memory_space<vmem_shared>> -> memref<79x128xf32, #tpu.memory_space<vmem_shared>>
      %dma_wait3A_124 = arith.constant 0 : i32
      %dma_wait3A_125 = arith.constant 0 : i32
      %dma_wait3A_126 = tpu.memref_slice %arg12[%run_scoped3A_15, %dma_wait3A_124, %dma_wait3A_125] : memref<2x80x128xf32, #tpu.memory_space<vmem>> -> memref<1x79x128xf32, #tpu.memory_space<vmem>>
      %dma_wait3A_127 = tpu.memref_squeeze %dma_wait3A_126 : memref<1x79x128xf32, #tpu.memory_space<vmem>> -> memref<79x128xf32, #tpu.memory_space<vmem>>
      tpu.wait_dma2 semaphore(%run_scoped3A_103 : memref<!tpu.dma_semaphore, #tpu.memory_space<semaphore_mem>>) src(%dma_wait3A_127 : memref<79x128xf32, #tpu.memory_space<vmem>>) dst(%dma_wait3A_123 : memref<79x128xf32, #tpu.memory_space<vmem_shared>>)
      tpu.yield
    }) : () -> ()
    %add3A_16 = arith.constant 237 : i32
    %add3A_17 = arith.addi %mul3A_7, %add3A_16 : i32
    %run_scoped3A_18 = arith.constant 0 : i32
    "tpu.region"() ({
      %run_scoped3A_103 = tpu.sem_alloc : memref<!tpu.dma_semaphore, #tpu.memory_space<semaphore_mem>>
      %dma_start3A_104 = arith.constant 0 : i32
      %dma_start3A_105 = arith.constant 0 : i32
      %dma_start3A_106 = tpu.memref_slice %arg12[%run_scoped3A_18, %dma_start3A_104, %dma_start3A_105] : memref<2x80x128xf32, #tpu.memory_space<vmem>> -> memref<1x79x128xf32, #tpu.memory_space<vmem>>
      %dma_start3A_107 = tpu.memref_squeeze %dma_start3A_106 : memref<1x79x128xf32, #tpu.memory_space<vmem>> -> memref<79x128xf32, #tpu.memory_space<vmem>>
      %dma_start3A_108 = arith.constant 0 : i32
      %dma_start3A_109 = tpu.memref_slice %arg6[%add3A_17, %dma_start3A_108] : memref<10112x128xf32, #tpu.memory_space<vmem_shared>> -> memref<79x128xf32, #tpu.memory_space<vmem_shared>>
      %dma_start3A_110 = arith.constant 0 : i32
      %dma_start3A_111 = tpu.memref_slice %arg6[%add3A_17, %dma_start3A_110] : memref<10112x128xf32, #tpu.memory_space<vmem_shared>> -> memref<79x128xf32, #tpu.memory_space<vmem_shared>>
      %dma_start3A_112 = arith.constant 0 : i32
      %dma_start3A_113 = arith.constant 0 : i32
      %dma_start3A_114 = tpu.memref_slice %arg12[%run_scoped3A_18, %dma_start3A_112, %dma_start3A_113] : memref<2x80x128xf32, #tpu.memory_space<vmem>> -> memref<1x79x128xf32, #tpu.memory_space<vmem>>
      %dma_start3A_115 = tpu.memref_squeeze %dma_start3A_114 : memref<1x79x128xf32, #tpu.memory_space<vmem>> -> memref<79x128xf32, #tpu.memory_space<vmem>>
      tpu.enqueue_dma source(%dma_start3A_115 : memref<79x128xf32, #tpu.memory_space<vmem>>) target(%dma_start3A_111 : memref<79x128xf32, #tpu.memory_space<vmem_shared>>) target_semaphore(%run_scoped3A_103 : memref<!tpu.dma_semaphore, #tpu.memory_space<semaphore_mem>>)
      %dma_wait3A_116 = arith.constant 0 : i32
      %dma_wait3A_117 = arith.constant 0 : i32
      %dma_wait3A_118 = tpu.memref_slice %arg12[%run_scoped3A_18, %dma_wait3A_116, %dma_wait3A_117] : memref<2x80x128xf32, #tpu.memory_space<vmem>> -> memref<1x79x128xf32, #tpu.memory_space<vmem>>
      %dma_wait3A_119 = tpu.memref_squeeze %dma_wait3A_118 : memref<1x79x128xf32, #tpu.memory_space<vmem>> -> memref<79x128xf32, #tpu.memory_space<vmem>>
      %dma_wait3A_120 = arith.constant 0 : i32
      %dma_wait3A_121 = tpu.memref_slice %arg6[%add3A_17, %dma_wait3A_120] : memref<10112x128xf32, #tpu.memory_space<vmem_shared>> -> memref<79x128xf32, #tpu.memory_space<vmem_shared>>
      %dma_wait3A_122 = arith.constant 0 : i32
      %dma_wait3A_123 = tpu.memref_slice %arg6[%add3A_17, %dma_wait3A_122] : memref<10112x128xf32, #tpu.memory_space<vmem_shared>> -> memref<79x128xf32, #tpu.memory_space<vmem_shared>>
      %dma_wait3A_124 = arith.constant 0 : i32
      %dma_wait3A_125 = arith.constant 0 : i32
      %dma_wait3A_126 = tpu.memref_slice %arg12[%run_scoped3A_18, %dma_wait3A_124, %dma_wait3A_125] : memref<2x80x128xf32, #tpu.memory_space<vmem>> -> memref<1x79x128xf32, #tpu.memory_space<vmem>>
      %dma_wait3A_127 = tpu.memref_squeeze %dma_wait3A_126 : memref<1x79x128xf32, #tpu.memory_space<vmem>> -> memref<79x128xf32, #tpu.memory_space<vmem>>
      tpu.wait_dma2 semaphore(%run_scoped3A_103 : memref<!tpu.dma_semaphore, #tpu.memory_space<semaphore_mem>>) src(%dma_wait3A_127 : memref<79x128xf32, #tpu.memory_space<vmem>>) dst(%dma_wait3A_123 : memref<79x128xf32, #tpu.memory_space<vmem_shared>>)
      tpu.yield
    }) : () -> ()
    %add3A_19 = arith.constant 316 : i32
    %add3A_20 = arith.addi %mul3A_7, %add3A_19 : i32
    %run_scoped3A_21 = arith.constant 0 : i32
    "tpu.region"() ({
      %run_scoped3A_103 = tpu.sem_alloc : memref<!tpu.dma_semaphore, #tpu.memory_space<semaphore_mem>>
      %dma_start3A_104 = arith.constant 0 : i32
      %dma_start3A_105 = arith.constant 0 : i32
      %dma_start3A_106 = tpu.memref_slice %arg12[%run_scoped3A_21, %dma_start3A_104, %dma_start3A_105] : memref<2x80x128xf32, #tpu.memory_space<vmem>> -> memref<1x79x128xf32, #tpu.memory_space<vmem>>
      %dma_start3A_107 = tpu.memref_squeeze %dma_start3A_106 : memref<1x79x128xf32, #tpu.memory_space<vmem>> -> memref<79x128xf32, #tpu.memory_space<vmem>>
      %dma_start3A_108 = arith.constant 0 : i32
      %dma_start3A_109 = tpu.memref_slice %arg6[%add3A_20, %dma_start3A_108] : memref<10112x128xf32, #tpu.memory_space<vmem_shared>> -> memref<79x128xf32, #tpu.memory_space<vmem_shared>>
      %dma_start3A_110 = arith.constant 0 : i32
      %dma_start3A_111 = tpu.memref_slice %arg6[%add3A_20, %dma_start3A_110] : memref<10112x128xf32, #tpu.memory_space<vmem_shared>> -> memref<79x128xf32, #tpu.memory_space<vmem_shared>>
      %dma_start3A_112 = arith.constant 0 : i32
      %dma_start3A_113 = arith.constant 0 : i32
      %dma_start3A_114 = tpu.memref_slice %arg12[%run_scoped3A_21, %dma_start3A_112, %dma_start3A_113] : memref<2x80x128xf32, #tpu.memory_space<vmem>> -> memref<1x79x128xf32, #tpu.memory_space<vmem>>
      %dma_start3A_115 = tpu.memref_squeeze %dma_start3A_114 : memref<1x79x128xf32, #tpu.memory_space<vmem>> -> memref<79x128xf32, #tpu.memory_space<vmem>>
      tpu.enqueue_dma source(%dma_start3A_115 : memref<79x128xf32, #tpu.memory_space<vmem>>) target(%dma_start3A_111 : memref<79x128xf32, #tpu.memory_space<vmem_shared>>) target_semaphore(%run_scoped3A_103 : memref<!tpu.dma_semaphore, #tpu.memory_space<semaphore_mem>>)
      %dma_wait3A_116 = arith.constant 0 : i32
      %dma_wait3A_117 = arith.constant 0 : i32
      %dma_wait3A_118 = tpu.memref_slice %arg12[%run_scoped3A_21, %dma_wait3A_116, %dma_wait3A_117] : memref<2x80x128xf32, #tpu.memory_space<vmem>> -> memref<1x79x128xf32, #tpu.memory_space<vmem>>
      %dma_wait3A_119 = tpu.memref_squeeze %dma_wait3A_118 : memref<1x79x128xf32, #tpu.memory_space<vmem>> -> memref<79x128xf32, #tpu.memory_space<vmem>>
      %dma_wait3A_120 = arith.constant 0 : i32
      %dma_wait3A_121 = tpu.memref_slice %arg6[%add3A_20, %dma_wait3A_120] : memref<10112x128xf32, #tpu.memory_space<vmem_shared>> -> memref<79x128xf32, #tpu.memory_space<vmem_shared>>
      %dma_wait3A_122 = arith.constant 0 : i32
      %dma_wait3A_123 = tpu.memref_slice %arg6[%add3A_20, %dma_wait3A_122] : memref<10112x128xf32, #tpu.memory_space<vmem_shared>> -> memref<79x128xf32, #tpu.memory_space<vmem_shared>>
      %dma_wait3A_124 = arith.constant 0 : i32
      %dma_wait3A_125 = arith.constant 0 : i32
      %dma_wait3A_126 = tpu.memref_slice %arg12[%run_scoped3A_21, %dma_wait3A_124, %dma_wait3A_125] : memref<2x80x128xf32, #tpu.memory_space<vmem>> -> memref<1x79x128xf32, #tpu.memory_space<vmem>>
      %dma_wait3A_127 = tpu.memref_squeeze %dma_wait3A_126 : memref<1x79x128xf32, #tpu.memory_space<vmem>> -> memref<79x128xf32, #tpu.memory_space<vmem>>
      tpu.wait_dma2 semaphore(%run_scoped3A_103 : memref<!tpu.dma_semaphore, #tpu.memory_space<semaphore_mem>>) src(%dma_wait3A_127 : memref<79x128xf32, #tpu.memory_space<vmem>>) dst(%dma_wait3A_123 : memref<79x128xf32, #tpu.memory_space<vmem_shared>>)
      tpu.yield
    }) : () -> ()
    %add3A_22 = arith.constant 395 : i32
    %add3A_23 = arith.addi %mul3A_7, %add3A_22 : i32
    %run_scoped3A_24 = arith.constant 0 : i32
    "tpu.region"() ({
      %run_scoped3A_103 = tpu.sem_alloc : memref<!tpu.dma_semaphore, #tpu.memory_space<semaphore_mem>>
      %dma_start3A_104 = arith.constant 0 : i32
      %dma_start3A_105 = arith.constant 0 : i32
      %dma_start3A_106 = tpu.memref_slice %arg12[%run_scoped3A_24, %dma_start3A_104, %dma_start3A_105] : memref<2x80x128xf32, #tpu.memory_space<vmem>> -> memref<1x79x128xf32, #tpu.memory_space<vmem>>
      %dma_start3A_107 = tpu.memref_squeeze %dma_start3A_106 : memref<1x79x128xf32, #tpu.memory_space<vmem>> -> memref<79x128xf32, #tpu.memory_space<vmem>>
      %dma_start3A_108 = arith.constant 0 : i32
      %dma_start3A_109 = tpu.memref_slice %arg6[%add3A_23, %dma_start3A_108] : memref<10112x128xf32, #tpu.memory_space<vmem_shared>> -> memref<79x128xf32, #tpu.memory_space<vmem_shared>>
      %dma_start3A_110 = arith.constant 0 : i32
      %dma_start3A_111 = tpu.memref_slice %arg6[%add3A_23, %dma_start3A_110] : memref<10112x128xf32, #tpu.memory_space<vmem_shared>> -> memref<79x128xf32, #tpu.memory_space<vmem_shared>>
      %dma_start3A_112 = arith.constant 0 : i32
      %dma_start3A_113 = arith.constant 0 : i32
      %dma_start3A_114 = tpu.memref_slice %arg12[%run_scoped3A_24, %dma_start3A_112, %dma_start3A_113] : memref<2x80x128xf32, #tpu.memory_space<vmem>> -> memref<1x79x128xf32, #tpu.memory_space<vmem>>
      %dma_start3A_115 = tpu.memref_squeeze %dma_start3A_114 : memref<1x79x128xf32, #tpu.memory_space<vmem>> -> memref<79x128xf32, #tpu.memory_space<vmem>>
      tpu.enqueue_dma source(%dma_start3A_115 : memref<79x128xf32, #tpu.memory_space<vmem>>) target(%dma_start3A_111 : memref<79x128xf32, #tpu.memory_space<vmem_shared>>) target_semaphore(%run_scoped3A_103 : memref<!tpu.dma_semaphore, #tpu.memory_space<semaphore_mem>>)
      %dma_wait3A_116 = arith.constant 0 : i32
      %dma_wait3A_117 = arith.constant 0 : i32
      %dma_wait3A_118 = tpu.memref_slice %arg12[%run_scoped3A_24, %dma_wait3A_116, %dma_wait3A_117] : memref<2x80x128xf32, #tpu.memory_space<vmem>> -> memref<1x79x128xf32, #tpu.memory_space<vmem>>
      %dma_wait3A_119 = tpu.memref_squeeze %dma_wait3A_118 : memref<1x79x128xf32, #tpu.memory_space<vmem>> -> memref<79x128xf32, #tpu.memory_space<vmem>>
      %dma_wait3A_120 = arith.constant 0 : i32
      %dma_wait3A_121 = tpu.memref_slice %arg6[%add3A_23, %dma_wait3A_120] : memref<10112x128xf32, #tpu.memory_space<vmem_shared>> -> memref<79x128xf32, #tpu.memory_space<vmem_shared>>
      %dma_wait3A_122 = arith.constant 0 : i32
      %dma_wait3A_123 = tpu.memref_slice %arg6[%add3A_23, %dma_wait3A_122] : memref<10112x128xf32, #tpu.memory_space<vmem_shared>> -> memref<79x128xf32, #tpu.memory_space<vmem_shared>>
      %dma_wait3A_124 = arith.constant 0 : i32
      %dma_wait3A_125 = arith.constant 0 : i32
      %dma_wait3A_126 = tpu.memref_slice %arg12[%run_scoped3A_24, %dma_wait3A_124, %dma_wait3A_125] : memref<2x80x128xf32, #tpu.memory_space<vmem>> -> memref<1x79x128xf32, #tpu.memory_space<vmem>>
      %dma_wait3A_127 = tpu.memref_squeeze %dma_wait3A_126 : memref<1x79x128xf32, #tpu.memory_space<vmem>> -> memref<79x128xf32, #tpu.memory_space<vmem>>
      tpu.wait_dma2 semaphore(%run_scoped3A_103 : memref<!tpu.dma_semaphore, #tpu.memory_space<semaphore_mem>>) src(%dma_wait3A_127 : memref<79x128xf32, #tpu.memory_space<vmem>>) dst(%dma_wait3A_123 : memref<79x128xf32, #tpu.memory_space<vmem_shared>>)
      tpu.yield
    }) : () -> ()
    %add3A_25 = arith.constant 474 : i32
    %add3A_26 = arith.addi %mul3A_7, %add3A_25 : i32
    %run_scoped3A_27 = arith.constant 0 : i32
    "tpu.region"() ({
      %run_scoped3A_103 = tpu.sem_alloc : memref<!tpu.dma_semaphore, #tpu.memory_space<semaphore_mem>>
      %dma_start3A_104 = arith.constant 0 : i32
      %dma_start3A_105 = arith.constant 0 : i32
      %dma_start3A_106 = tpu.memref_slice %arg12[%run_scoped3A_27, %dma_start3A_104, %dma_start3A_105] : memref<2x80x128xf32, #tpu.memory_space<vmem>> -> memref<1x79x128xf32, #tpu.memory_space<vmem>>
      %dma_start3A_107 = tpu.memref_squeeze %dma_start3A_106 : memref<1x79x128xf32, #tpu.memory_space<vmem>> -> memref<79x128xf32, #tpu.memory_space<vmem>>
      %dma_start3A_108 = arith.constant 0 : i32
      %dma_start3A_109 = tpu.memref_slice %arg6[%add3A_26, %dma_start3A_108] : memref<10112x128xf32, #tpu.memory_space<vmem_shared>> -> memref<79x128xf32, #tpu.memory_space<vmem_shared>>
      %dma_start3A_110 = arith.constant 0 : i32
      %dma_start3A_111 = tpu.memref_slice %arg6[%add3A_26, %dma_start3A_110] : memref<10112x128xf32, #tpu.memory_space<vmem_shared>> -> memref<79x128xf32, #tpu.memory_space<vmem_shared>>
      %dma_start3A_112 = arith.constant 0 : i32
      %dma_start3A_113 = arith.constant 0 : i32
      %dma_start3A_114 = tpu.memref_slice %arg12[%run_scoped3A_27, %dma_start3A_112, %dma_start3A_113] : memref<2x80x128xf32, #tpu.memory_space<vmem>> -> memref<1x79x128xf32, #tpu.memory_space<vmem>>
      %dma_start3A_115 = tpu.memref_squeeze %dma_start3A_114 : memref<1x79x128xf32, #tpu.memory_space<vmem>> -> memref<79x128xf32, #tpu.memory_space<vmem>>
      tpu.enqueue_dma source(%dma_start3A_115 : memref<79x128xf32, #tpu.memory_space<vmem>>) target(%dma_start3A_111 : memref<79x128xf32, #tpu.memory_space<vmem_shared>>) target_semaphore(%run_scoped3A_103 : memref<!tpu.dma_semaphore, #tpu.memory_space<semaphore_mem>>)
      %dma_wait3A_116 = arith.constant 0 : i32
      %dma_wait3A_117 = arith.constant 0 : i32
      %dma_wait3A_118 = tpu.memref_slice %arg12[%run_scoped3A_27, %dma_wait3A_116, %dma_wait3A_117] : memref<2x80x128xf32, #tpu.memory_space<vmem>> -> memref<1x79x128xf32, #tpu.memory_space<vmem>>
      %dma_wait3A_119 = tpu.memref_squeeze %dma_wait3A_118 : memref<1x79x128xf32, #tpu.memory_space<vmem>> -> memref<79x128xf32, #tpu.memory_space<vmem>>
      %dma_wait3A_120 = arith.constant 0 : i32
      %dma_wait3A_121 = tpu.memref_slice %arg6[%add3A_26, %dma_wait3A_120] : memref<10112x128xf32, #tpu.memory_space<vmem_shared>> -> memref<79x128xf32, #tpu.memory_space<vmem_shared>>
      %dma_wait3A_122 = arith.constant 0 : i32
      %dma_wait3A_123 = tpu.memref_slice %arg6[%add3A_26, %dma_wait3A_122] : memref<10112x128xf32, #tpu.memory_space<vmem_shared>> -> memref<79x128xf32, #tpu.memory_space<vmem_shared>>
      %dma_wait3A_124 = arith.constant 0 : i32
      %dma_wait3A_125 = arith.constant 0 : i32
      %dma_wait3A_126 = tpu.memref_slice %arg12[%run_scoped3A_27, %dma_wait3A_124, %dma_wait3A_125] : memref<2x80x128xf32, #tpu.memory_space<vmem>> -> memref<1x79x128xf32, #tpu.memory_space<vmem>>
      %dma_wait3A_127 = tpu.memref_squeeze %dma_wait3A_126 : memref<1x79x128xf32, #tpu.memory_space<vmem>> -> memref<79x128xf32, #tpu.memory_space<vmem>>
      tpu.wait_dma2 semaphore(%run_scoped3A_103 : memref<!tpu.dma_semaphore, #tpu.memory_space<semaphore_mem>>) src(%dma_wait3A_127 : memref<79x128xf32, #tpu.memory_space<vmem>>) dst(%dma_wait3A_123 : memref<79x128xf32, #tpu.memory_space<vmem_shared>>)
      tpu.yield
    }) : () -> ()
    %add3A_28 = arith.constant 553 : i32
    %add3A_29 = arith.addi %mul3A_7, %add3A_28 : i32
    %run_scoped3A_30 = arith.constant 0 : i32
    "tpu.region"() ({
      %run_scoped3A_103 = tpu.sem_alloc : memref<!tpu.dma_semaphore, #tpu.memory_space<semaphore_mem>>
      %dma_start3A_104 = arith.constant 0 : i32
      %dma_start3A_105 = arith.constant 0 : i32
      %dma_start3A_106 = tpu.memref_slice %arg12[%run_scoped3A_30, %dma_start3A_104, %dma_start3A_105] : memref<2x80x128xf32, #tpu.memory_space<vmem>> -> memref<1x79x128xf32, #tpu.memory_space<vmem>>
      %dma_start3A_107 = tpu.memref_squeeze %dma_start3A_106 : memref<1x79x128xf32, #tpu.memory_space<vmem>> -> memref<79x128xf32, #tpu.memory_space<vmem>>
      %dma_start3A_108 = arith.constant 0 : i32
      %dma_start3A_109 = tpu.memref_slice %arg6[%add3A_29, %dma_start3A_108] : memref<10112x128xf32, #tpu.memory_space<vmem_shared>> -> memref<79x128xf32, #tpu.memory_space<vmem_shared>>
      %dma_start3A_110 = arith.constant 0 : i32
      %dma_start3A_111 = tpu.memref_slice %arg6[%add3A_29, %dma_start3A_110] : memref<10112x128xf32, #tpu.memory_space<vmem_shared>> -> memref<79x128xf32, #tpu.memory_space<vmem_shared>>
      %dma_start3A_112 = arith.constant 0 : i32
      %dma_start3A_113 = arith.constant 0 : i32
      %dma_start3A_114 = tpu.memref_slice %arg12[%run_scoped3A_30, %dma_start3A_112, %dma_start3A_113] : memref<2x80x128xf32, #tpu.memory_space<vmem>> -> memref<1x79x128xf32, #tpu.memory_space<vmem>>
      %dma_start3A_115 = tpu.memref_squeeze %dma_start3A_114 : memref<1x79x128xf32, #tpu.memory_space<vmem>> -> memref<79x128xf32, #tpu.memory_space<vmem>>
      tpu.enqueue_dma source(%dma_start3A_115 : memref<79x128xf32, #tpu.memory_space<vmem>>) target(%dma_start3A_111 : memref<79x128xf32, #tpu.memory_space<vmem_shared>>) target_semaphore(%run_scoped3A_103 : memref<!tpu.dma_semaphore, #tpu.memory_space<semaphore_mem>>)
      %dma_wait3A_116 = arith.constant 0 : i32
      %dma_wait3A_117 = arith.constant 0 : i32
      %dma_wait3A_118 = tpu.memref_slice %arg12[%run_scoped3A_30, %dma_wait3A_116, %dma_wait3A_117] : memref<2x80x128xf32, #tpu.memory_space<vmem>> -> memref<1x79x128xf32, #tpu.memory_space<vmem>>
      %dma_wait3A_119 = tpu.memref_squeeze %dma_wait3A_118 : memref<1x79x128xf32, #tpu.memory_space<vmem>> -> memref<79x128xf32, #tpu.memory_space<vmem>>
      %dma_wait3A_120 = arith.constant 0 : i32
      %dma_wait3A_121 = tpu.memref_slice %arg6[%add3A_29, %dma_wait3A_120] : memref<10112x128xf32, #tpu.memory_space<vmem_shared>> -> memref<79x128xf32, #tpu.memory_space<vmem_shared>>
      %dma_wait3A_122 = arith.constant 0 : i32
      %dma_wait3A_123 = tpu.memref_slice %arg6[%add3A_29, %dma_wait3A_122] : memref<10112x128xf32, #tpu.memory_space<vmem_shared>> -> memref<79x128xf32, #tpu.memory_space<vmem_shared>>
      %dma_wait3A_124 = arith.constant 0 : i32
      %dma_wait3A_125 = arith.constant 0 : i32
      %dma_wait3A_126 = tpu.memref_slice %arg12[%run_scoped3A_30, %dma_wait3A_124, %dma_wait3A_125] : memref<2x80x128xf32, #tpu.memory_space<vmem>> -> memref<1x79x128xf32, #tpu.memory_space<vmem>>
      %dma_wait3A_127 = tpu.memref_squeeze %dma_wait3A_126 : memref<1x79x128xf32, #tpu.memory_space<vmem>> -> memref<79x128xf32, #tpu.memory_space<vmem>>
      tpu.wait_dma2 semaphore(%run_scoped3A_103 : memref<!tpu.dma_semaphore, #tpu.memory_space<semaphore_mem>>) src(%dma_wait3A_127 : memref<79x128xf32, #tpu.memory_space<vmem>>) dst(%dma_wait3A_123 : memref<79x128xf32, #tpu.memory_space<vmem_shared>>)
      tpu.yield
    }) : () -> ()
    %barrier3A = arith.constant 0 : index
    tpu.barrier barrier_id(%barrier3A)
    %mul3A_31 = arith.constant 10000 : i32
    %mul3A_32 = arith.muli %add3A, %mul3A_31 : i32
    "tpu.region"() ({
      %run_scoped3A_103 = tpu.sem_alloc : memref<!tpu.dma_semaphore, #tpu.memory_space<semaphore_mem>>
      %dma_start3A_104 = tpu.memref_slice %arg4[%mul3A_32] : memref<640000xi32, #tpu.memory_space<hbm>> -> memref<80xi32, #tpu.memory_space<hbm>>
      %dma_start3A_105 = tpu.memref_slice %arg4[%mul3A_32] : memref<640000xi32, #tpu.memory_space<hbm>> -> memref<80xi32, #tpu.memory_space<hbm>>
      tpu.enqueue_dma source(%dma_start3A_105 : memref<80xi32, #tpu.memory_space<hbm>>) target(%arg7 : memref<80xi32, #tpu.memory_space<vmem>>) target_semaphore(%run_scoped3A_103 : memref<!tpu.dma_semaphore, #tpu.memory_space<semaphore_mem>>)
      %dma_wait3A_106 = tpu.memref_slice %arg4[%mul3A_32] : memref<640000xi32, #tpu.memory_space<hbm>> -> memref<80xi32, #tpu.memory_space<hbm>>
      %dma_wait3A_107 = tpu.memref_slice %arg4[%mul3A_32] : memref<640000xi32, #tpu.memory_space<hbm>> -> memref<80xi32, #tpu.memory_space<hbm>>
      tpu.wait_dma2 semaphore(%run_scoped3A_103 : memref<!tpu.dma_semaphore, #tpu.memory_space<semaphore_mem>>) src(%dma_wait3A_107 : memref<80xi32, #tpu.memory_space<hbm>>) dst(%arg7 : memref<80xi32, #tpu.memory_space<vmem>>)
      tpu.yield
    }) : () -> ()
    %dma_start3A = arith.constant 0 : i32
    %dma_start3A_33 = arith.constant 0 : i32
    %dma_start3A_34 = arith.constant 0 : i32
    %dma_start3A_35 = tpu.memref_slice %arg11[%dma_start3A, %dma_start3A_33, %dma_start3A_34] : memref<2x80x128xf32, #tpu.memory_space<vmem>> -> memref<1x80x128xf32, #tpu.memory_space<vmem>>
    %dma_start3A_36 = tpu.memref_squeeze %dma_start3A_35 : memref<1x80x128xf32, #tpu.memory_space<vmem>> -> memref<80x128xf32, #tpu.memory_space<vmem>>
    %dma_start3A_37 = arith.constant 0 : i32
    %dma_start3A_38 = arith.constant 0 : i32
    %dma_start3A_39 = tpu.memref_slice %arg2[%dma_start3A_37, %dma_start3A_38] : memref<10000x128xf32, #tpu.memory_space<hbm>> -> memref<10000x128xf32, #tpu.memory_space<hbm>>
    tpu.enqueue_indirect_dma source(%dma_start3A_39 : memref<10000x128xf32, #tpu.memory_space<hbm>>) target(%dma_start3A_36 : memref<80x128xf32, #tpu.memory_space<vmem>>) offsets(%arg7 : memref<80xi32, #tpu.memory_space<vmem>>) semaphore(%arg13 : memref<!tpu.dma_semaphore, #tpu.memory_space<semaphore_mem>>)
    %add3A_40 = arith.constant 0 : i32
    %add3A_41 = arith.addi %mul3A_32, %add3A_40 : i32
    %multiple_of3A = tpu.assume_multiple %add3A_41, 8 : i32
    %dma_start3A_42 = arith.constant 0 : i32
    %dma_start3A_43 = arith.constant 0 : i32
    %dma_start3A_44 = arith.constant 0 : i32
    %dma_start3A_45 = tpu.memref_slice %arg12[%dma_start3A_42, %dma_start3A_43, %dma_start3A_44] : memref<2x80x128xf32, #tpu.memory_space<vmem>> -> memref<1x80x128xf32, #tpu.memory_space<vmem>>
    %dma_start3A_46 = tpu.memref_squeeze %dma_start3A_45 : memref<1x80x128xf32, #tpu.memory_space<vmem>> -> memref<80x128xf32, #tpu.memory_space<vmem>>
    %dma_start3A_47 = arith.constant 0 : i32
    %dma_start3A_48 = tpu.memref_slice %arg3[%multiple_of3A, %dma_start3A_47] : memref<320000x128xf32, #tpu.memory_space<hbm>> -> memref<80x128xf32, #tpu.memory_space<hbm>>
    %dma_start3A_49 = arith.constant 0 : i32
    %dma_start3A_50 = arith.constant 0 : i32
    %dma_start3A_51 = tpu.memref_slice %arg12[%dma_start3A_42, %dma_start3A_49, %dma_start3A_50] : memref<2x80x128xf32, #tpu.memory_space<vmem>> -> memref<1x80x128xf32, #tpu.memory_space<vmem>>
    %dma_start3A_52 = tpu.memref_squeeze %dma_start3A_51 : memref<1x80x128xf32, #tpu.memory_space<vmem>> -> memref<80x128xf32, #tpu.memory_space<vmem>>
    %dma_start3A_53 = arith.constant 0 : i32
    %dma_start3A_54 = tpu.memref_slice %arg3[%multiple_of3A, %dma_start3A_53] : memref<320000x128xf32, #tpu.memory_space<hbm>> -> memref<80x128xf32, #tpu.memory_space<hbm>>
    tpu.enqueue_dma source(%dma_start3A_54 : memref<80x128xf32, #tpu.memory_space<hbm>>) target(%dma_start3A_52 : memref<80x128xf32, #tpu.memory_space<vmem>>) target_semaphore(%arg13 : memref<!tpu.dma_semaphore, #tpu.memory_space<semaphore_mem>>)
    %add3A_55 = arith.constant 320000 : i32
    %add3A_56 = arith.addi %add3A_55, %mul3A_32 : i32
    %add3A_57 = arith.constant 0 : i32
    %add3A_58 = arith.addi %add3A_56, %add3A_57 : i32
    %multiple_of3A_59 = tpu.assume_multiple %add3A_58, 8 : i32
    %dma_start3A_60 = tpu.memref_slice %arg4[%multiple_of3A_59] : memref<640000xi32, #tpu.memory_space<hbm>> -> memref<80xi32, #tpu.memory_space<hbm>>
    %dma_start3A_61 = tpu.memref_slice %arg4[%multiple_of3A_59] : memref<640000xi32, #tpu.memory_space<hbm>> -> memref<80xi32, #tpu.memory_space<hbm>>
    tpu.enqueue_dma source(%dma_start3A_61 : memref<80xi32, #tpu.memory_space<hbm>>) target(%arg9 : memref<80xi32, #tpu.memory_space<vmem>>) target_semaphore(%arg13 : memref<!tpu.dma_semaphore, #tpu.memory_space<semaphore_mem>>)
    %add3A_62 = arith.constant 80 : i32
    %add3A_63 = arith.addi %mul3A_32, %add3A_62 : i32
    %multiple_of3A_64 = tpu.assume_multiple %add3A_63, 8 : i32
    %dma_start3A_65 = tpu.memref_slice %arg4[%multiple_of3A_64] : memref<640000xi32, #tpu.memory_space<hbm>> -> memref<80xi32, #tpu.memory_space<hbm>>
    %dma_start3A_66 = tpu.memref_slice %arg4[%multiple_of3A_64] : memref<640000xi32, #tpu.memory_space<hbm>> -> memref<80xi32, #tpu.memory_space<hbm>>
    tpu.enqueue_dma source(%dma_start3A_66 : memref<80xi32, #tpu.memory_space<hbm>>) target(%arg8 : memref<80xi32, #tpu.memory_space<vmem>>) target_semaphore(%arg13 : memref<!tpu.dma_semaphore, #tpu.memory_space<semaphore_mem>>)
    %scan3A_67 = arith.constant 0 : i32
    %scan3A_68 = arith.constant 0 : i32
    %scan3A_69 = arith.constant 62 : i32
    %scan3A_70 = arith.addi %scan3A_68, %scan3A_69 : i32
    %scan3A_71 = arith.constant 1 : i32
    scf.for %scan3A_103 = %scan3A_68 to %scan3A_70 step %scan3A_71  : i32 {
      %mul3A_104 = arith.constant 2 : i32
      %mul3A_105 = arith.muli %mul3A_104, %scan3A_103 : i32
      %dma_wait3A_106 = arith.constant 0 : i32
      %dma_wait3A_107 = arith.constant 0 : i32
      %dma_wait3A_108 = arith.constant 0 : i32
      %dma_wait3A_109 = tpu.memref_slice %arg11[%dma_wait3A_106, %dma_wait3A_107, %dma_wait3A_108] : memref<2x80x128xf32, #tpu.memory_space<vmem>> -> memref<1x80x128xf32, #tpu.memory_space<vmem>>
      %dma_wait3A_110 = tpu.memref_squeeze %dma_wait3A_109 : memref<1x80x128xf32, #tpu.memory_space<vmem>> -> memref<80x128xf32, #tpu.memory_space<vmem>>
      %dma_wait3A_111 = arith.constant 0 : i32
      %dma_wait3A_112 = arith.constant 0 : i32
      %dma_wait3A_113 = tpu.memref_slice %arg2[%dma_wait3A_111, %dma_wait3A_112] : memref<10000x128xf32, #tpu.memory_space<hbm>> -> memref<10000x128xf32, #tpu.memory_space<hbm>>
      tpu.wait_indirect_dma semaphore(%arg13 : memref<!tpu.dma_semaphore, #tpu.memory_space<semaphore_mem>>) src(%dma_wait3A_113 : memref<10000x128xf32, #tpu.memory_space<hbm>>) dst(%dma_wait3A_110 : memref<80x128xf32, #tpu.memory_space<vmem>>)
      %dma_wait3A_114 = arith.constant 0 : i32
      %dma_wait3A_115 = arith.constant 0 : i32
      %dma_wait3A_116 = arith.constant 0 : i32
      %dma_wait3A_117 = tpu.memref_slice %arg12[%dma_wait3A_114, %dma_wait3A_115, %dma_wait3A_116] : memref<2x80x128xf32, #tpu.memory_space<vmem>> -> memref<1x80x128xf32, #tpu.memory_space<vmem>>
      %dma_wait3A_118 = tpu.memref_squeeze %dma_wait3A_117 : memref<1x80x128xf32, #tpu.memory_space<vmem>> -> memref<80x128xf32, #tpu.memory_space<vmem>>
      %dma_wait3A_119 = arith.constant 0 : i32
      %dma_wait3A_120 = tpu.memref_slice %arg3[%mul3A_32, %dma_wait3A_119] : memref<320000x128xf32, #tpu.memory_space<hbm>> -> memref<80x128xf32, #tpu.memory_space<hbm>>
      %dma_wait3A_121 = arith.constant 0 : i32
      %dma_wait3A_122 = arith.constant 0 : i32
      %dma_wait3A_123 = tpu.memref_slice %arg12[%dma_wait3A_114, %dma_wait3A_121, %dma_wait3A_122] : memref<2x80x128xf32, #tpu.memory_space<vmem>> -> memref<1x80x128xf32, #tpu.memory_space<vmem>>
      %dma_wait3A_124 = tpu.memref_squeeze %dma_wait3A_123 : memref<1x80x128xf32, #tpu.memory_space<vmem>> -> memref<80x128xf32, #tpu.memory_space<vmem>>
      %dma_wait3A_125 = arith.constant 0 : i32
      %dma_wait3A_126 = tpu.memref_slice %arg3[%mul3A_32, %dma_wait3A_125] : memref<320000x128xf32, #tpu.memory_space<hbm>> -> memref<80x128xf32, #tpu.memory_space<hbm>>
      tpu.wait_dma2 semaphore(%arg13 : memref<!tpu.dma_semaphore, #tpu.memory_space<semaphore_mem>>) src(%dma_wait3A_126 : memref<80x128xf32, #tpu.memory_space<hbm>>) dst(%dma_wait3A_124 : memref<80x128xf32, #tpu.memory_space<vmem>>)
      %dma_wait3A_127 = tpu.memref_slice %arg4[%mul3A_32] : memref<640000xi32, #tpu.memory_space<hbm>> -> memref<80xi32, #tpu.memory_space<hbm>>
      %dma_wait3A_128 = tpu.memref_slice %arg4[%mul3A_32] : memref<640000xi32, #tpu.memory_space<hbm>> -> memref<80xi32, #tpu.memory_space<hbm>>
      tpu.wait_dma2 semaphore(%arg13 : memref<!tpu.dma_semaphore, #tpu.memory_space<semaphore_mem>>) src(%dma_wait3A_128 : memref<80xi32, #tpu.memory_space<hbm>>) dst(%arg9 : memref<80xi32, #tpu.memory_space<vmem>>)
      %add3A_129 = arith.constant 1 : i32
      %add3A_130 = arith.addi %mul3A_105, %add3A_129 : i32
      %lt3A = arith.constant 125 : i32
      %lt3A_131 = arith.cmpi slt, %add3A_130, %lt3A : i32
      %convert_element_type3A = arith.extui %lt3A_131 : i1 to i32
      %cond3A = arith.constant 0 : i32
      %cond3A_132 = arith.cmpi ne, %convert_element_type3A, %cond3A : i32
      scf.if %cond3A_132 {
        %dma_wait3A_195 = tpu.memref_slice %arg4[%mul3A_32] : memref<640000xi32, #tpu.memory_space<hbm>> -> memref<80xi32, #tpu.memory_space<hbm>>
        %dma_wait3A_196 = tpu.memref_slice %arg4[%mul3A_32] : memref<640000xi32, #tpu.memory_space<hbm>> -> memref<80xi32, #tpu.memory_space<hbm>>
        tpu.wait_dma2 semaphore(%arg13 : memref<!tpu.dma_semaphore, #tpu.memory_space<semaphore_mem>>) src(%dma_wait3A_196 : memref<80xi32, #tpu.memory_space<hbm>>) dst(%arg8 : memref<80xi32, #tpu.memory_space<vmem>>)
      } else {
      }
      %add3A_133 = arith.constant 1 : i32
      %add3A_134 = arith.addi %mul3A_105, %add3A_133 : i32
      %lt3A_135 = arith.constant 125 : i32
      %lt3A_136 = arith.cmpi slt, %add3A_134, %lt3A_135 : i32
      %convert_element_type3A_137 = arith.extui %lt3A_136 : i1 to i32
      %cond3A_138 = arith.constant 0 : i32
      %cond3A_139 = arith.cmpi ne, %convert_element_type3A_137, %cond3A_138 : i32
      scf.if %cond3A_139 {
        %add3A_195 = arith.constant 1 : i32
        %add3A_196 = arith.addi %mul3A_105, %add3A_195 : i32
        %dma_start3A_197 = arith.constant 1 : i32
        %dma_start3A_198 = arith.constant 0 : i32
        %dma_start3A_199 = arith.constant 0 : i32
        %dma_start3A_200 = tpu.memref_slice %arg11[%dma_start3A_197, %dma_start3A_198, %dma_start3A_199] : memref<2x80x128xf32, #tpu.memory_space<vmem>> -> memref<1x80x128xf32, #tpu.memory_space<vmem>>
        %dma_start3A_201 = tpu.memref_squeeze %dma_start3A_200 : memref<1x80x128xf32, #tpu.memory_space<vmem>> -> memref<80x128xf32, #tpu.memory_space<vmem>>
        %dma_start3A_202 = arith.constant 0 : i32
        %dma_start3A_203 = arith.constant 0 : i32
        %dma_start3A_204 = tpu.memref_slice %arg2[%dma_start3A_202, %dma_start3A_203] : memref<10000x128xf32, #tpu.memory_space<hbm>> -> memref<10000x128xf32, #tpu.memory_space<hbm>>
        tpu.enqueue_indirect_dma source(%dma_start3A_204 : memref<10000x128xf32, #tpu.memory_space<hbm>>) target(%dma_start3A_201 : memref<80x128xf32, #tpu.memory_space<vmem>>) offsets(%arg8 : memref<80xi32, #tpu.memory_space<vmem>>) semaphore(%arg14 : memref<!tpu.dma_semaphore, #tpu.memory_space<semaphore_mem>>)
        %mul3A_205 = arith.constant 80 : i32
        %mul3A_206 = arith.muli %add3A_196, %mul3A_205 : i32
        %add3A_207 = arith.addi %mul3A_32, %mul3A_206 : i32
        %multiple_of3A_208 = tpu.assume_multiple %add3A_207, 8 : i32
        %dma_start3A_209 = arith.constant 1 : i32
        %dma_start3A_210 = arith.constant 0 : i32
        %dma_start3A_211 = arith.constant 0 : i32
        %dma_start3A_212 = tpu.memref_slice %arg12[%dma_start3A_209, %dma_start3A_210, %dma_start3A_211] : memref<2x80x128xf32, #tpu.memory_space<vmem>> -> memref<1x80x128xf32, #tpu.memory_space<vmem>>
        %dma_start3A_213 = tpu.memref_squeeze %dma_start3A_212 : memref<1x80x128xf32, #tpu.memory_space<vmem>> -> memref<80x128xf32, #tpu.memory_space<vmem>>
        %dma_start3A_214 = arith.constant 0 : i32
        %dma_start3A_215 = tpu.memref_slice %arg3[%multiple_of3A_208, %dma_start3A_214] : memref<320000x128xf32, #tpu.memory_space<hbm>> -> memref<80x128xf32, #tpu.memory_space<hbm>>
        %dma_start3A_216 = arith.constant 0 : i32
        %dma_start3A_217 = arith.constant 0 : i32
        %dma_start3A_218 = tpu.memref_slice %arg12[%dma_start3A_209, %dma_start3A_216, %dma_start3A_217] : memref<2x80x128xf32, #tpu.memory_space<vmem>> -> memref<1x80x128xf32, #tpu.memory_space<vmem>>
        %dma_start3A_219 = tpu.memref_squeeze %dma_start3A_218 : memref<1x80x128xf32, #tpu.memory_space<vmem>> -> memref<80x128xf32, #tpu.memory_space<vmem>>
        %dma_start3A_220 = arith.constant 0 : i32
        %dma_start3A_221 = tpu.memref_slice %arg3[%multiple_of3A_208, %dma_start3A_220] : memref<320000x128xf32, #tpu.memory_space<hbm>> -> memref<80x128xf32, #tpu.memory_space<hbm>>
        tpu.enqueue_dma source(%dma_start3A_221 : memref<80x128xf32, #tpu.memory_space<hbm>>) target(%dma_start3A_219 : memref<80x128xf32, #tpu.memory_space<vmem>>) target_semaphore(%arg14 : memref<!tpu.dma_semaphore, #tpu.memory_space<semaphore_mem>>)
        %add3A_222 = arith.constant 320000 : i32
        %add3A_223 = arith.addi %add3A_222, %mul3A_32 : i32
        %mul3A_224 = arith.constant 80 : i32
        %mul3A_225 = arith.muli %add3A_196, %mul3A_224 : i32
        %add3A_226 = arith.addi %add3A_223, %mul3A_225 : i32
        %multiple_of3A_227 = tpu.assume_multiple %add3A_226, 8 : i32
        %dma_start3A_228 = tpu.memref_slice %arg4[%multiple_of3A_227] : memref<640000xi32, #tpu.memory_space<hbm>> -> memref<80xi32, #tpu.memory_space<hbm>>
        %dma_start3A_229 = tpu.memref_slice %arg4[%multiple_of3A_227] : memref<640000xi32, #tpu.memory_space<hbm>> -> memref<80xi32, #tpu.memory_space<hbm>>
        tpu.enqueue_dma source(%dma_start3A_229 : memref<80xi32, #tpu.memory_space<hbm>>) target(%arg10 : memref<80xi32, #tpu.memory_space<vmem>>) target_semaphore(%arg14 : memref<!tpu.dma_semaphore, #tpu.memory_space<semaphore_mem>>)
        %add3A_230 = arith.constant 1 : i32
        %add3A_231 = arith.addi %add3A_196, %add3A_230 : i32
        %lt3A_232 = arith.constant 125 : i32
        %lt3A_233 = arith.cmpi slt, %add3A_231, %lt3A_232 : i32
        %convert_element_type3A_234 = arith.extui %lt3A_233 : i1 to i32
        %cond3A_235 = arith.constant 0 : i32
        %cond3A_236 = arith.cmpi ne, %convert_element_type3A_234, %cond3A_235 : i32
        scf.if %cond3A_236 {
          %add3A_237 = arith.constant 1 : i32
          %add3A_238 = arith.addi %add3A_196, %add3A_237 : i32
          %mul3A_239 = arith.constant 80 : i32
          %mul3A_240 = arith.muli %add3A_238, %mul3A_239 : i32
          %add3A_241 = arith.addi %mul3A_32, %mul3A_240 : i32
          %multiple_of3A_242 = tpu.assume_multiple %add3A_241, 8 : i32
          %dma_start3A_243 = tpu.memref_slice %arg4[%multiple_of3A_242] : memref<640000xi32, #tpu.memory_space<hbm>> -> memref<80xi32, #tpu.memory_space<hbm>>
          %dma_start3A_244 = tpu.memref_slice %arg4[%multiple_of3A_242] : memref<640000xi32, #tpu.memory_space<hbm>> -> memref<80xi32, #tpu.memory_space<hbm>>
          tpu.enqueue_dma source(%dma_start3A_244 : memref<80xi32, #tpu.memory_space<hbm>>) target(%arg7 : memref<80xi32, #tpu.memory_space<vmem>>) target_semaphore(%arg14 : memref<!tpu.dma_semaphore, #tpu.memory_space<semaphore_mem>>)
        } else {
        }
      } else {
      }
      %scan3A_140 = arith.constant 0 : i32
      %scan3A_141 = arith.constant 0 : i32
      %scan3A_142 = arith.constant 80 : i32
      %scan3A_143 = arith.addi %scan3A_141, %scan3A_142 : i32
      %scan3A_144 = arith.constant 1 : i32
      scf.for %scan3A_195 = %scan3A_141 to %scan3A_143 step %scan3A_144  : i32 {
        %get3A = arith.constant 0 : i32
        %get3A_196 = arith.index_cast %get3A : i32 to index
        %get3A_197 = arith.index_cast %scan3A_195 : i32 to index
        %get3A_198 = arith.constant 0 : index
        %get3A_199 = tpu.vector_load %arg11[%get3A_196, %get3A_197, %get3A_198] {strides = array<i32>} : memref<2x80x128xf32, #tpu.memory_space<vmem>>, vector<1x1x16xf32>,
        %get3A_200 = vector.shape_cast %get3A_199 : vector<1x1x16xf32> to vector<16xf32>
        %get3A_201 = arith.constant 0 : i32
        %get3A_202 = arith.index_cast %get3A_201 : i32 to index
        %get3A_203 = arith.index_cast %scan3A_195 : i32 to index
        %get3A_204 = arith.constant 0 : index
        %get3A_205 = tpu.vector_load %arg12[%get3A_202, %get3A_203, %get3A_204] {strides = array<i32>} : memref<2x80x128xf32, #tpu.memory_space<vmem>>, vector<1x1x16xf32>,
        %get3A_206 = vector.shape_cast %get3A_205 : vector<1x1x16xf32> to vector<16xf32>
        %add3A_207 = arith.addf %get3A_200, %get3A_206 : vector<16xf32>
        %max3A = arith.constant 0.000000e+00 : f32
        %max3A_208 = vector.broadcast %max3A : f32 to vector<16xf32>
        %max3A_209 = arith.maximumf %add3A_207, %max3A_208 : vector<16xf32>
        %swap3A = arith.constant 0 : i32
        %swap3A_210 = arith.index_cast %swap3A : i32 to index
        %swap3A_211 = arith.index_cast %scan3A_195 : i32 to index
        %swap3A_212 = arith.constant 0 : index
        %swap3A_213 = tpu.vector_load %arg11[%swap3A_210, %swap3A_211, %swap3A_212] {strides = array<i32>} : memref<2x80x128xf32, #tpu.memory_space<vmem>>, vector<1x1x16xf32>,
        %swap3A_214 = vector.shape_cast %swap3A_213 : vector<1x1x16xf32> to vector<16xf32>
        %swap3A_215 = vector.shape_cast %max3A_209 : vector<16xf32> to vector<1x1x16xf32>
        tpu.vector_store %arg11[%swap3A_210, %swap3A_211, %swap3A_212], %swap3A_215 {strides = array<i32>} : memref<2x80x128xf32, #tpu.memory_space<vmem>>, vector<1x1x16xf32>,
        %get3A_216 = arith.constant 0 : i32
        %get3A_217 = arith.index_cast %get3A_216 : i32 to index
        %get3A_218 = arith.index_cast %scan3A_195 : i32 to index
        %get3A_219 = arith.constant 16 : index
        %get3A_220 = tpu.vector_load %arg11[%get3A_217, %get3A_218, %get3A_219] {strides = array<i32>} : memref<2x80x128xf32, #tpu.memory_space<vmem>>, vector<1x1x16xf32>,
        %get3A_221 = vector.shape_cast %get3A_220 : vector<1x1x16xf32> to vector<16xf32>
        %get3A_222 = arith.constant 0 : i32
        %get3A_223 = arith.index_cast %get3A_222 : i32 to index
        %get3A_224 = arith.index_cast %scan3A_195 : i32 to index
        %get3A_225 = arith.constant 16 : index
        %get3A_226 = tpu.vector_load %arg12[%get3A_223, %get3A_224, %get3A_225] {strides = array<i32>} : memref<2x80x128xf32, #tpu.memory_space<vmem>>, vector<1x1x16xf32>,
        %get3A_227 = vector.shape_cast %get3A_226 : vector<1x1x16xf32> to vector<16xf32>
        %add3A_228 = arith.addf %get3A_221, %get3A_227 : vector<16xf32>
        %max3A_229 = arith.constant 0.000000e+00 : f32
        %max3A_230 = vector.broadcast %max3A_229 : f32 to vector<16xf32>
        %max3A_231 = arith.maximumf %add3A_228, %max3A_230 : vector<16xf32>
        %swap3A_232 = arith.constant 0 : i32
        %swap3A_233 = arith.index_cast %swap3A_232 : i32 to index
        %swap3A_234 = arith.index_cast %scan3A_195 : i32 to index
        %swap3A_235 = arith.constant 16 : index
        %swap3A_236 = tpu.vector_load %arg11[%swap3A_233, %swap3A_234, %swap3A_235] {strides = array<i32>} : memref<2x80x128xf32, #tpu.memory_space<vmem>>, vector<1x1x16xf32>,
        %swap3A_237 = vector.shape_cast %swap3A_236 : vector<1x1x16xf32> to vector<16xf32>
        %swap3A_238 = vector.shape_cast %max3A_231 : vector<16xf32> to vector<1x1x16xf32>
        tpu.vector_store %arg11[%swap3A_233, %swap3A_234, %swap3A_235], %swap3A_238 {strides = array<i32>} : memref<2x80x128xf32, #tpu.memory_space<vmem>>, vector<1x1x16xf32>,
        %get3A_239 = arith.constant 0 : i32
        %get3A_240 = arith.index_cast %get3A_239 : i32 to index
        %get3A_241 = arith.index_cast %scan3A_195 : i32 to index
        %get3A_242 = arith.constant 32 : index
        %get3A_243 = tpu.vector_load %arg11[%get3A_240, %get3A_241, %get3A_242] {strides = array<i32>} : memref<2x80x128xf32, #tpu.memory_space<vmem>>, vector<1x1x16xf32>,
        %get3A_244 = vector.shape_cast %get3A_243 : vector<1x1x16xf32> to vector<16xf32>
        %get3A_245 = arith.constant 0 : i32
        %get3A_246 = arith.index_cast %get3A_245 : i32 to index
        %get3A_247 = arith.index_cast %scan3A_195 : i32 to index
        %get3A_248 = arith.constant 32 : index
        %get3A_249 = tpu.vector_load %arg12[%get3A_246, %get3A_247, %get3A_248] {strides = array<i32>} : memref<2x80x128xf32, #tpu.memory_space<vmem>>, vector<1x1x16xf32>,
        %get3A_250 = vector.shape_cast %get3A_249 : vector<1x1x16xf32> to vector<16xf32>
        %add3A_251 = arith.addf %get3A_244, %get3A_250 : vector<16xf32>
        %max3A_252 = arith.constant 0.000000e+00 : f32
        %max3A_253 = vector.broadcast %max3A_252 : f32 to vector<16xf32>
        %max3A_254 = arith.maximumf %add3A_251, %max3A_253 : vector<16xf32>
        %swap3A_255 = arith.constant 0 : i32
        %swap3A_256 = arith.index_cast %swap3A_255 : i32 to index
        %swap3A_257 = arith.index_cast %scan3A_195 : i32 to index
        %swap3A_258 = arith.constant 32 : index
        %swap3A_259 = tpu.vector_load %arg11[%swap3A_256, %swap3A_257, %swap3A_258] {strides = array<i32>} : memref<2x80x128xf32, #tpu.memory_space<vmem>>, vector<1x1x16xf32>,
        %swap3A_260 = vector.shape_cast %swap3A_259 : vector<1x1x16xf32> to vector<16xf32>
        %swap3A_261 = vector.shape_cast %max3A_254 : vector<16xf32> to vector<1x1x16xf32>
        tpu.vector_store %arg11[%swap3A_256, %swap3A_257, %swap3A_258], %swap3A_261 {strides = array<i32>} : memref<2x80x128xf32, #tpu.memory_space<vmem>>, vector<1x1x16xf32>,
        %get3A_262 = arith.constant 0 : i32
        %get3A_263 = arith.index_cast %get3A_262 : i32 to index
        %get3A_264 = arith.index_cast %scan3A_195 : i32 to index
        %get3A_265 = arith.constant 48 : index
        %get3A_266 = tpu.vector_load %arg11[%get3A_263, %get3A_264, %get3A_265] {strides = array<i32>} : memref<2x80x128xf32, #tpu.memory_space<vmem>>, vector<1x1x16xf32>,
        %get3A_267 = vector.shape_cast %get3A_266 : vector<1x1x16xf32> to vector<16xf32>
        %get3A_268 = arith.constant 0 : i32
        %get3A_269 = arith.index_cast %get3A_268 : i32 to index
        %get3A_270 = arith.index_cast %scan3A_195 : i32 to index
        %get3A_271 = arith.constant 48 : index
        %get3A_272 = tpu.vector_load %arg12[%get3A_269, %get3A_270, %get3A_271] {strides = array<i32>} : memref<2x80x128xf32, #tpu.memory_space<vmem>>, vector<1x1x16xf32>,
        %get3A_273 = vector.shape_cast %get3A_272 : vector<1x1x16xf32> to vector<16xf32>
        %add3A_274 = arith.addf %get3A_267, %get3A_273 : vector<16xf32>
        %max3A_275 = arith.constant 0.000000e+00 : f32
        %max3A_276 = vector.broadcast %max3A_275 : f32 to vector<16xf32>
        %max3A_277 = arith.maximumf %add3A_274, %max3A_276 : vector<16xf32>
        %swap3A_278 = arith.constant 0 : i32
        %swap3A_279 = arith.index_cast %swap3A_278 : i32 to index
        %swap3A_280 = arith.index_cast %scan3A_195 : i32 to index
        %swap3A_281 = arith.constant 48 : index
        %swap3A_282 = tpu.vector_load %arg11[%swap3A_279, %swap3A_280, %swap3A_281] {strides = array<i32>} : memref<2x80x128xf32, #tpu.memory_space<vmem>>, vector<1x1x16xf32>,
        %swap3A_283 = vector.shape_cast %swap3A_282 : vector<1x1x16xf32> to vector<16xf32>
        %swap3A_284 = vector.shape_cast %max3A_277 : vector<16xf32> to vector<1x1x16xf32>
        tpu.vector_store %arg11[%swap3A_279, %swap3A_280, %swap3A_281], %swap3A_284 {strides = array<i32>} : memref<2x80x128xf32, #tpu.memory_space<vmem>>, vector<1x1x16xf32>,
        %get3A_285 = arith.constant 0 : i32
        %get3A_286 = arith.index_cast %get3A_285 : i32 to index
        %get3A_287 = arith.index_cast %scan3A_195 : i32 to index
        %get3A_288 = arith.constant 64 : index
        %get3A_289 = tpu.vector_load %arg11[%get3A_286, %get3A_287, %get3A_288] {strides = array<i32>} : memref<2x80x128xf32, #tpu.memory_space<vmem>>, vector<1x1x16xf32>,
        %get3A_290 = vector.shape_cast %get3A_289 : vector<1x1x16xf32> to vector<16xf32>
        %get3A_291 = arith.constant 0 : i32
        %get3A_292 = arith.index_cast %get3A_291 : i32 to index
        %get3A_293 = arith.index_cast %scan3A_195 : i32 to index
        %get3A_294 = arith.constant 64 : index
        %get3A_295 = tpu.vector_load %arg12[%get3A_292, %get3A_293, %get3A_294] {strides = array<i32>} : memref<2x80x128xf32, #tpu.memory_space<vmem>>, vector<1x1x16xf32>,
        %get3A_296 = vector.shape_cast %get3A_295 : vector<1x1x16xf32> to vector<16xf32>
        %add3A_297 = arith.addf %get3A_290, %get3A_296 : vector<16xf32>
        %max3A_298 = arith.constant 0.000000e+00 : f32
        %max3A_299 = vector.broadcast %max3A_298 : f32 to vector<16xf32>
        %max3A_300 = arith.maximumf %add3A_297, %max3A_299 : vector<16xf32>
        %swap3A_301 = arith.constant 0 : i32
        %swap3A_302 = arith.index_cast %swap3A_301 : i32 to index
        %swap3A_303 = arith.index_cast %scan3A_195 : i32 to index
        %swap3A_304 = arith.constant 64 : index
        %swap3A_305 = tpu.vector_load %arg11[%swap3A_302, %swap3A_303, %swap3A_304] {strides = array<i32>} : memref<2x80x128xf32, #tpu.memory_space<vmem>>, vector<1x1x16xf32>,
        %swap3A_306 = vector.shape_cast %swap3A_305 : vector<1x1x16xf32> to vector<16xf32>
        %swap3A_307 = vector.shape_cast %max3A_300 : vector<16xf32> to vector<1x1x16xf32>
        tpu.vector_store %arg11[%swap3A_302, %swap3A_303, %swap3A_304], %swap3A_307 {strides = array<i32>} : memref<2x80x128xf32, #tpu.memory_space<vmem>>, vector<1x1x16xf32>,
        %get3A_308 = arith.constant 0 : i32
        %get3A_309 = arith.index_cast %get3A_308 : i32 to index
        %get3A_310 = arith.index_cast %scan3A_195 : i32 to index
        %get3A_311 = arith.constant 80 : index
        %get3A_312 = tpu.vector_load %arg11[%get3A_309, %get3A_310, %get3A_311] {strides = array<i32>} : memref<2x80x128xf32, #tpu.memory_space<vmem>>, vector<1x1x16xf32>,
        %get3A_313 = vector.shape_cast %get3A_312 : vector<1x1x16xf32> to vector<16xf32>
        %get3A_314 = arith.constant 0 : i32
        %get3A_315 = arith.index_cast %get3A_314 : i32 to index
        %get3A_316 = arith.index_cast %scan3A_195 : i32 to index
        %get3A_317 = arith.constant 80 : index
        %get3A_318 = tpu.vector_load %arg12[%get3A_315, %get3A_316, %get3A_317] {strides = array<i32>} : memref<2x80x128xf32, #tpu.memory_space<vmem>>, vector<1x1x16xf32>,
        %get3A_319 = vector.shape_cast %get3A_318 : vector<1x1x16xf32> to vector<16xf32>
        %add3A_320 = arith.addf %get3A_313, %get3A_319 : vector<16xf32>
        %max3A_321 = arith.constant 0.000000e+00 : f32
        %max3A_322 = vector.broadcast %max3A_321 : f32 to vector<16xf32>
        %max3A_323 = arith.maximumf %add3A_320, %max3A_322 : vector<16xf32>
        %swap3A_324 = arith.constant 0 : i32
        %swap3A_325 = arith.index_cast %swap3A_324 : i32 to index
        %swap3A_326 = arith.index_cast %scan3A_195 : i32 to index
        %swap3A_327 = arith.constant 80 : index
        %swap3A_328 = tpu.vector_load %arg11[%swap3A_325, %swap3A_326, %swap3A_327] {strides = array<i32>} : memref<2x80x128xf32, #tpu.memory_space<vmem>>, vector<1x1x16xf32>,
        %swap3A_329 = vector.shape_cast %swap3A_328 : vector<1x1x16xf32> to vector<16xf32>
        %swap3A_330 = vector.shape_cast %max3A_323 : vector<16xf32> to vector<1x1x16xf32>
        tpu.vector_store %arg11[%swap3A_325, %swap3A_326, %swap3A_327], %swap3A_330 {strides = array<i32>} : memref<2x80x128xf32, #tpu.memory_space<vmem>>, vector<1x1x16xf32>,
        %get3A_331 = arith.constant 0 : i32
        %get3A_332 = arith.index_cast %get3A_331 : i32 to index
        %get3A_333 = arith.index_cast %scan3A_195 : i32 to index
        %get3A_334 = arith.constant 96 : index
        %get3A_335 = tpu.vector_load %arg11[%get3A_332, %get3A_333, %get3A_334] {strides = array<i32>} : memref<2x80x128xf32, #tpu.memory_space<vmem>>, vector<1x1x16xf32>,
        %get3A_336 = vector.shape_cast %get3A_335 : vector<1x1x16xf32> to vector<16xf32>
        %get3A_337 = arith.constant 0 : i32
        %get3A_338 = arith.index_cast %get3A_337 : i32 to index
        %get3A_339 = arith.index_cast %scan3A_195 : i32 to index
        %get3A_340 = arith.constant 96 : index
        %get3A_341 = tpu.vector_load %arg12[%get3A_338, %get3A_339, %get3A_340] {strides = array<i32>} : memref<2x80x128xf32, #tpu.memory_space<vmem>>, vector<1x1x16xf32>,
        %get3A_342 = vector.shape_cast %get3A_341 : vector<1x1x16xf32> to vector<16xf32>
        %add3A_343 = arith.addf %get3A_336, %get3A_342 : vector<16xf32>
        %max3A_344 = arith.constant 0.000000e+00 : f32
        %max3A_345 = vector.broadcast %max3A_344 : f32 to vector<16xf32>
        %max3A_346 = arith.maximumf %add3A_343, %max3A_345 : vector<16xf32>
        %swap3A_347 = arith.constant 0 : i32
        %swap3A_348 = arith.index_cast %swap3A_347 : i32 to index
        %swap3A_349 = arith.index_cast %scan3A_195 : i32 to index
        %swap3A_350 = arith.constant 96 : index
        %swap3A_351 = tpu.vector_load %arg11[%swap3A_348, %swap3A_349, %swap3A_350] {strides = array<i32>} : memref<2x80x128xf32, #tpu.memory_space<vmem>>, vector<1x1x16xf32>,
        %swap3A_352 = vector.shape_cast %swap3A_351 : vector<1x1x16xf32> to vector<16xf32>
        %swap3A_353 = vector.shape_cast %max3A_346 : vector<16xf32> to vector<1x1x16xf32>
        tpu.vector_store %arg11[%swap3A_348, %swap3A_349, %swap3A_350], %swap3A_353 {strides = array<i32>} : memref<2x80x128xf32, #tpu.memory_space<vmem>>, vector<1x1x16xf32>,
        %get3A_354 = arith.constant 0 : i32
        %get3A_355 = arith.index_cast %get3A_354 : i32 to index
        %get3A_356 = arith.index_cast %scan3A_195 : i32 to index
        %get3A_357 = arith.constant 112 : index
        %get3A_358 = tpu.vector_load %arg11[%get3A_355, %get3A_356, %get3A_357] {strides = array<i32>} : memref<2x80x128xf32, #tpu.memory_space<vmem>>, vector<1x1x16xf32>,
        %get3A_359 = vector.shape_cast %get3A_358 : vector<1x1x16xf32> to vector<16xf32>
        %get3A_360 = arith.constant 0 : i32
        %get3A_361 = arith.index_cast %get3A_360 : i32 to index
        %get3A_362 = arith.index_cast %scan3A_195 : i32 to index
        %get3A_363 = arith.constant 112 : index
        %get3A_364 = tpu.vector_load %arg12[%get3A_361, %get3A_362, %get3A_363] {strides = array<i32>} : memref<2x80x128xf32, #tpu.memory_space<vmem>>, vector<1x1x16xf32>,
        %get3A_365 = vector.shape_cast %get3A_364 : vector<1x1x16xf32> to vector<16xf32>
        %add3A_366 = arith.addf %get3A_359, %get3A_365 : vector<16xf32>
        %max3A_367 = arith.constant 0.000000e+00 : f32
        %max3A_368 = vector.broadcast %max3A_367 : f32 to vector<16xf32>
        %max3A_369 = arith.maximumf %add3A_366, %max3A_368 : vector<16xf32>
        %swap3A_370 = arith.constant 0 : i32
        %swap3A_371 = arith.index_cast %swap3A_370 : i32 to index
        %swap3A_372 = arith.index_cast %scan3A_195 : i32 to index
        %swap3A_373 = arith.constant 112 : index
        %swap3A_374 = tpu.vector_load %arg11[%swap3A_371, %swap3A_372, %swap3A_373] {strides = array<i32>} : memref<2x80x128xf32, #tpu.memory_space<vmem>>, vector<1x1x16xf32>,
        %swap3A_375 = vector.shape_cast %swap3A_374 : vector<1x1x16xf32> to vector<16xf32>
        %swap3A_376 = vector.shape_cast %max3A_369 : vector<16xf32> to vector<1x1x16xf32>
        tpu.vector_store %arg11[%swap3A_371, %swap3A_372, %swap3A_373], %swap3A_376 {strides = array<i32>} : memref<2x80x128xf32, #tpu.memory_space<vmem>>, vector<1x1x16xf32>,
      }
      %scan3A_145 = arith.constant 80 : i32
      %run_scoped3A_146 = arith.constant 0 : i32
      "tpu.region"() ({
        %run_scoped3A_195 = tpu.sem_alloc : memref<!tpu.dma_semaphore, #tpu.memory_space<semaphore_mem>>
        %dma_start3A_196 = arith.constant 0 : i32
        %dma_start3A_197 = arith.constant 0 : i32
        %dma_start3A_198 = tpu.memref_slice %arg11[%run_scoped3A_146, %dma_start3A_196, %dma_start3A_197] : memref<2x80x128xf32, #tpu.memory_space<vmem>> -> memref<1x80x128xf32, #tpu.memory_space<vmem>>
        %dma_start3A_199 = tpu.memref_squeeze %dma_start3A_198 : memref<1x80x128xf32, #tpu.memory_space<vmem>> -> memref<80x128xf32, #tpu.memory_space<vmem>>
        %dma_start3A_200 = arith.constant 0 : i32
        %dma_start3A_201 = arith.constant 0 : i32
        %dma_start3A_202 = tpu.memref_slice %arg6[%dma_start3A_200, %dma_start3A_201] : memref<10112x128xf32, #tpu.memory_space<vmem_shared>> -> memref<10112x128xf32, #tpu.memory_space<vmem_shared>>
        tpu.enqueue_indirect_dma source(%dma_start3A_199 : memref<80x128xf32, #tpu.memory_space<vmem>>) target(%dma_start3A_202 : memref<10112x128xf32, #tpu.memory_space<vmem_shared>>) offsets(%arg9 : memref<80xi32, #tpu.memory_space<vmem>>) semaphore(%run_scoped3A_195 : memref<!tpu.dma_semaphore, #tpu.memory_space<semaphore_mem>>) {add = true}
        %dma_wait3A_203 = arith.constant 0 : i32
        %dma_wait3A_204 = arith.constant 0 : i32
        %dma_wait3A_205 = tpu.memref_slice %arg11[%run_scoped3A_146, %dma_wait3A_203, %dma_wait3A_204] : memref<2x80x128xf32, #tpu.memory_space<vmem>> -> memref<1x80x128xf32, #tpu.memory_space<vmem>>
        %dma_wait3A_206 = tpu.memref_squeeze %dma_wait3A_205 : memref<1x80x128xf32, #tpu.memory_space<vmem>> -> memref<80x128xf32, #tpu.memory_space<vmem>>
        %dma_wait3A_207 = arith.constant 0 : i32
        %dma_wait3A_208 = arith.constant 0 : i32
        %dma_wait3A_209 = tpu.memref_slice %arg6[%dma_wait3A_207, %dma_wait3A_208] : memref<10112x128xf32, #tpu.memory_space<vmem_shared>> -> memref<10112x128xf32, #tpu.memory_space<vmem_shared>>
        tpu.wait_indirect_dma semaphore(%run_scoped3A_195 : memref<!tpu.dma_semaphore, #tpu.memory_space<semaphore_mem>>) src(%dma_wait3A_206 : memref<80x128xf32, #tpu.memory_space<vmem>>) dst(%dma_wait3A_209 : memref<10112x128xf32, #tpu.memory_space<vmem_shared>>)
        tpu.yield
      }) : () -> ()
      %mul3A_147 = arith.constant 2 : i32
      %mul3A_148 = arith.muli %mul3A_147, %scan3A_103 : i32
      %add3A_149 = arith.constant 1 : i32
      %add3A_150 = arith.addi %mul3A_148, %add3A_149 : i32
      %dma_wait3A_151 = arith.constant 1 : i32
      %dma_wait3A_152 = arith.constant 0 : i32
      %dma_wait3A_153 = arith.constant 0 : i32
      %dma_wait3A_154 = tpu.memref_slice %arg11[%dma_wait3A_151, %dma_wait3A_152, %dma_wait3A_153] : memref<2x80x128xf32, #tpu.memory_space<vmem>> -> memref<1x80x128xf32, #tpu.memory_space<vmem>>
      %dma_wait3A_155 = tpu.memref_squeeze %dma_wait3A_154 : memref<1x80x128xf32, #tpu.memory_space<vmem>> -> memref<80x128xf32, #tpu.memory_space<vmem>>
      %dma_wait3A_156 = arith.constant 0 : i32
      %dma_wait3A_157 = arith.constant 0 : i32
      %dma_wait3A_158 = tpu.memref_slice %arg2[%dma_wait3A_156, %dma_wait3A_157] : memref<10000x128xf32, #tpu.memory_space<hbm>> -> memref<10000x128xf32, #tpu.memory_space<hbm>>
      tpu.wait_indirect_dma semaphore(%arg14 : memref<!tpu.dma_semaphore, #tpu.memory_space<semaphore_mem>>) src(%dma_wait3A_158 : memref<10000x128xf32, #tpu.memory_space<hbm>>) dst(%dma_wait3A_155 : memref<80x128xf32, #tpu.memory_space<vmem>>)
      %dma_wait3A_159 = arith.constant 1 : i32
      %dma_wait3A_160 = arith.constant 0 : i32
      %dma_wait3A_161 = arith.constant 0 : i32
      %dma_wait3A_162 = tpu.memref_slice %arg12[%dma_wait3A_159, %dma_wait3A_160, %dma_wait3A_161] : memref<2x80x128xf32, #tpu.memory_space<vmem>> -> memref<1x80x128xf32, #tpu.memory_space<vmem>>
      %dma_wait3A_163 = tpu.memref_squeeze %dma_wait3A_162 : memref<1x80x128xf32, #tpu.memory_space<vmem>> -> memref<80x128xf32, #tpu.memory_space<vmem>>
      %dma_wait3A_164 = arith.constant 0 : i32
      %dma_wait3A_165 = tpu.memref_slice %arg3[%mul3A_32, %dma_wait3A_164] : memref<320000x128xf32, #tpu.memory_space<hbm>> -> memref<80x128xf32, #tpu.memory_space<hbm>>
      %dma_wait3A_166 = arith.constant 0 : i32
      %dma_wait3A_167 = arith.constant 0 : i32
      %dma_wait3A_168 = tpu.memref_slice %arg12[%dma_wait3A_159, %dma_wait3A_166, %dma_wait3A_167] : memref<2x80x128xf32, #tpu.memory_space<vmem>> -> memref<1x80x128xf32, #tpu.memory_space<vmem>>
      %dma_wait3A_169 = tpu.memref_squeeze %dma_wait3A_168 : memref<1x80x128xf32, #tpu.memory_space<vmem>> -> memref<80x128xf32, #tpu.memory_space<vmem>>
      %dma_wait3A_170 = arith.constant 0 : i32
      %dma_wait3A_171 = tpu.memref_slice %arg3[%mul3A_32, %dma_wait3A_170] : memref<320000x128xf32, #tpu.memory_space<hbm>> -> memref<80x128xf32, #tpu.memory_space<hbm>>
      tpu.wait_dma2 semaphore(%arg14 : memref<!tpu.dma_semaphore, #tpu.memory_space<semaphore_mem>>) src(%dma_wait3A_171 : memref<80x128xf32, #tpu.memory_space<hbm>>) dst(%dma_wait3A_169 : memref<80x128xf32, #tpu.memory_space<vmem>>)
      %dma_wait3A_172 = tpu.memref_slice %arg4[%mul3A_32] : memref<640000xi32, #tpu.memory_space<hbm>> -> memref<80xi32, #tpu.memory_space<hbm>>
      %dma_wait3A_173 = tpu.memref_slice %arg4[%mul3A_32] : memref<640000xi32, #tpu.memory_space<hbm>> -> memref<80xi32, #tpu.memory_space<hbm>>
      tpu.wait_dma2 semaphore(%arg14 : memref<!tpu.dma_semaphore, #tpu.memory_space<semaphore_mem>>) src(%dma_wait3A_173 : memref<80xi32, #tpu.memory_space<hbm>>) dst(%arg10 : memref<80xi32, #tpu.memory_space<vmem>>)
      %add3A_174 = arith.constant 1 : i32
      %add3A_175 = arith.addi %add3A_150, %add3A_174 : i32
      %lt3A_176 = arith.constant 125 : i32
      %lt3A_177 = arith.cmpi slt, %add3A_175, %lt3A_176 : i32
      %convert_element_type3A_178 = arith.extui %lt3A_177 : i1 to i32
      %cond3A_179 = arith.constant 0 : i32
      %cond3A_180 = arith.cmpi ne, %convert_element_type3A_178, %cond3A_179 : i32
      scf.if %cond3A_180 {
        %dma_wait3A_195 = tpu.memref_slice %arg4[%mul3A_32] : memref<640000xi32, #tpu.memory_space<hbm>> -> memref<80xi32, #tpu.memory_space<hbm>>
        %dma_wait3A_196 = tpu.memref_slice %arg4[%mul3A_32] : memref<640000xi32, #tpu.memory_space<hbm>> -> memref<80xi32, #tpu.memory_space<hbm>>
        tpu.wait_dma2 semaphore(%arg14 : memref<!tpu.dma_semaphore, #tpu.memory_space<semaphore_mem>>) src(%dma_wait3A_196 : memref<80xi32, #tpu.memory_space<hbm>>) dst(%arg7 : memref<80xi32, #tpu.memory_space<vmem>>)
      } else {
      }
      %add3A_181 = arith.constant 1 : i32
      %add3A_182 = arith.addi %add3A_150, %add3A_181 : i32
      %lt3A_183 = arith.constant 125 : i32
      %lt3A_184 = arith.cmpi slt, %add3A_182, %lt3A_183 : i32
      %convert_element_type3A_185 = arith.extui %lt3A_184 : i1 to i32
      %cond3A_186 = arith.constant 0 : i32
      %cond3A_187 = arith.cmpi ne, %convert_element_type3A_185, %cond3A_186 : i32
      scf.if %cond3A_187 {
        %add3A_195 = arith.constant 1 : i32
        %add3A_196 = arith.addi %add3A_150, %add3A_195 : i32
        %dma_start3A_197 = arith.constant 0 : i32
        %dma_start3A_198 = arith.constant 0 : i32
        %dma_start3A_199 = arith.constant 0 : i32
        %dma_start3A_200 = tpu.memref_slice %arg11[%dma_start3A_197, %dma_start3A_198, %dma_start3A_199] : memref<2x80x128xf32, #tpu.memory_space<vmem>> -> memref<1x80x128xf32, #tpu.memory_space<vmem>>
        %dma_start3A_201 = tpu.memref_squeeze %dma_start3A_200 : memref<1x80x128xf32, #tpu.memory_space<vmem>> -> memref<80x128xf32, #tpu.memory_space<vmem>>
        %dma_start3A_202 = arith.constant 0 : i32
        %dma_start3A_203 = arith.constant 0 : i32
        %dma_start3A_204 = tpu.memref_slice %arg2[%dma_start3A_202, %dma_start3A_203] : memref<10000x128xf32, #tpu.memory_space<hbm>> -> memref<10000x128xf32, #tpu.memory_space<hbm>>
        tpu.enqueue_indirect_dma source(%dma_start3A_204 : memref<10000x128xf32, #tpu.memory_space<hbm>>) target(%dma_start3A_201 : memref<80x128xf32, #tpu.memory_space<vmem>>) offsets(%arg7 : memref<80xi32, #tpu.memory_space<vmem>>) semaphore(%arg13 : memref<!tpu.dma_semaphore, #tpu.memory_space<semaphore_mem>>)
        %mul3A_205 = arith.constant 80 : i32
        %mul3A_206 = arith.muli %add3A_196, %mul3A_205 : i32
        %add3A_207 = arith.addi %mul3A_32, %mul3A_206 : i32
        %multiple_of3A_208 = tpu.assume_multiple %add3A_207, 8 : i32
        %dma_start3A_209 = arith.constant 0 : i32
        %dma_start3A_210 = arith.constant 0 : i32
        %dma_start3A_211 = arith.constant 0 : i32
        %dma_start3A_212 = tpu.memref_slice %arg12[%dma_start3A_209, %dma_start3A_210, %dma_start3A_211] : memref<2x80x128xf32, #tpu.memory_space<vmem>> -> memref<1x80x128xf32, #tpu.memory_space<vmem>>
        %dma_start3A_213 = tpu.memref_squeeze %dma_start3A_212 : memref<1x80x128xf32, #tpu.memory_space<vmem>> -> memref<80x128xf32, #tpu.memory_space<vmem>>
        %dma_start3A_214 = arith.constant 0 : i32
        %dma_start3A_215 = tpu.memref_slice %arg3[%multiple_of3A_208, %dma_start3A_214] : memref<320000x128xf32, #tpu.memory_space<hbm>> -> memref<80x128xf32, #tpu.memory_space<hbm>>
        %dma_start3A_216 = arith.constant 0 : i32
        %dma_start3A_217 = arith.constant 0 : i32
        %dma_start3A_218 = tpu.memref_slice %arg12[%dma_start3A_209, %dma_start3A_216, %dma_start3A_217] : memref<2x80x128xf32, #tpu.memory_space<vmem>> -> memref<1x80x128xf32, #tpu.memory_space<vmem>>
        %dma_start3A_219 = tpu.memref_squeeze %dma_start3A_218 : memref<1x80x128xf32, #tpu.memory_space<vmem>> -> memref<80x128xf32, #tpu.memory_space<vmem>>
        %dma_start3A_220 = arith.constant 0 : i32
        %dma_start3A_221 = tpu.memref_slice %arg3[%multiple_of3A_208, %dma_start3A_220] : memref<320000x128xf32, #tpu.memory_space<hbm>> -> memref<80x128xf32, #tpu.memory_space<hbm>>
        tpu.enqueue_dma source(%dma_start3A_221 : memref<80x128xf32, #tpu.memory_space<hbm>>) target(%dma_start3A_219 : memref<80x128xf32, #tpu.memory_space<vmem>>) target_semaphore(%arg13 : memref<!tpu.dma_semaphore, #tpu.memory_space<semaphore_mem>>)
        %add3A_222 = arith.constant 320000 : i32
        %add3A_223 = arith.addi %add3A_222, %mul3A_32 : i32
        %mul3A_224 = arith.constant 80 : i32
        %mul3A_225 = arith.muli %add3A_196, %mul3A_224 : i32
        %add3A_226 = arith.addi %add3A_223, %mul3A_225 : i32
        %multiple_of3A_227 = tpu.assume_multiple %add3A_226, 8 : i32
        %dma_start3A_228 = tpu.memref_slice %arg4[%multiple_of3A_227] : memref<640000xi32, #tpu.memory_space<hbm>> -> memref<80xi32, #tpu.memory_space<hbm>>
        %dma_start3A_229 = tpu.memref_slice %arg4[%multiple_of3A_227] : memref<640000xi32, #tpu.memory_space<hbm>> -> memref<80xi32, #tpu.memory_space<hbm>>
        tpu.enqueue_dma source(%dma_start3A_229 : memref<80xi32, #tpu.memory_space<hbm>>) target(%arg9 : memref<80xi32, #tpu.memory_space<vmem>>) target_semaphore(%arg13 : memref<!tpu.dma_semaphore, #tpu.memory_space<semaphore_mem>>)
        %add3A_230 = arith.constant 1 : i32
        %add3A_231 = arith.addi %add3A_196, %add3A_230 : i32
        %lt3A_232 = arith.constant 125 : i32
        %lt3A_233 = arith.cmpi slt, %add3A_231, %lt3A_232 : i32
        %convert_element_type3A_234 = arith.extui %lt3A_233 : i1 to i32
        %cond3A_235 = arith.constant 0 : i32
        %cond3A_236 = arith.cmpi ne, %convert_element_type3A_234, %cond3A_235 : i32
        scf.if %cond3A_236 {
          %add3A_237 = arith.constant 1 : i32
          %add3A_238 = arith.addi %add3A_196, %add3A_237 : i32
          %mul3A_239 = arith.constant 80 : i32
          %mul3A_240 = arith.muli %add3A_238, %mul3A_239 : i32
          %add3A_241 = arith.addi %mul3A_32, %mul3A_240 : i32
          %multiple_of3A_242 = tpu.assume_multiple %add3A_241, 8 : i32
          %dma_start3A_243 = tpu.memref_slice %arg4[%multiple_of3A_242] : memref<640000xi32, #tpu.memory_space<hbm>> -> memref<80xi32, #tpu.memory_space<hbm>>
          %dma_start3A_244 = tpu.memref_slice %arg4[%multiple_of3A_242] : memref<640000xi32, #tpu.memory_space<hbm>> -> memref<80xi32, #tpu.memory_space<hbm>>
          tpu.enqueue_dma source(%dma_start3A_244 : memref<80xi32, #tpu.memory_space<hbm>>) target(%arg8 : memref<80xi32, #tpu.memory_space<vmem>>) target_semaphore(%arg13 : memref<!tpu.dma_semaphore, #tpu.memory_space<semaphore_mem>>)
        } else {
        }
      } else {
      }
      %scan3A_188 = arith.constant 0 : i32
      %scan3A_189 = arith.constant 0 : i32
      %scan3A_190 = arith.constant 80 : i32
      %scan3A_191 = arith.addi %scan3A_189, %scan3A_190 : i32
      %scan3A_192 = arith.constant 1 : i32
      scf.for %scan3A_195 = %scan3A_189 to %scan3A_191 step %scan3A_192  : i32 {
        %get3A = arith.constant 1 : i32
        %get3A_196 = arith.index_cast %get3A : i32 to index
        %get3A_197 = arith.index_cast %scan3A_195 : i32 to index
        %get3A_198 = arith.constant 0 : index
        %get3A_199 = tpu.vector_load %arg11[%get3A_196, %get3A_197, %get3A_198] {strides = array<i32>} : memref<2x80x128xf32, #tpu.memory_space<vmem>>, vector<1x1x16xf32>,
        %get3A_200 = vector.shape_cast %get3A_199 : vector<1x1x16xf32> to vector<16xf32>
        %get3A_201 = arith.constant 1 : i32
        %get3A_202 = arith.index_cast %get3A_201 : i32 to index
        %get3A_203 = arith.index_cast %scan3A_195 : i32 to index
        %get3A_204 = arith.constant 0 : index
        %get3A_205 = tpu.vector_load %arg12[%get3A_202, %get3A_203, %get3A_204] {strides = array<i32>} : memref<2x80x128xf32, #tpu.memory_space<vmem>>, vector<1x1x16xf32>,
        %get3A_206 = vector.shape_cast %get3A_205 : vector<1x1x16xf32> to vector<16xf32>
        %add3A_207 = arith.addf %get3A_200, %get3A_206 : vector<16xf32>
        %max3A = arith.constant 0.000000e+00 : f32
        %max3A_208 = vector.broadcast %max3A : f32 to vector<16xf32>
        %max3A_209 = arith.maximumf %add3A_207, %max3A_208 : vector<16xf32>
        %swap3A = arith.constant 1 : i32
        %swap3A_210 = arith.index_cast %swap3A : i32 to index
        %swap3A_211 = arith.index_cast %scan3A_195 : i32 to index
        %swap3A_212 = arith.constant 0 : index
        %swap3A_213 = tpu.vector_load %arg11[%swap3A_210, %swap3A_211, %swap3A_212] {strides = array<i32>} : memref<2x80x128xf32, #tpu.memory_space<vmem>>, vector<1x1x16xf32>,
        %swap3A_214 = vector.shape_cast %swap3A_213 : vector<1x1x16xf32> to vector<16xf32>
        %swap3A_215 = vector.shape_cast %max3A_209 : vector<16xf32> to vector<1x1x16xf32>
        tpu.vector_store %arg11[%swap3A_210, %swap3A_211, %swap3A_212], %swap3A_215 {strides = array<i32>} : memref<2x80x128xf32, #tpu.memory_space<vmem>>, vector<1x1x16xf32>,
        %get3A_216 = arith.constant 1 : i32
        %get3A_217 = arith.index_cast %get3A_216 : i32 to index
        %get3A_218 = arith.index_cast %scan3A_195 : i32 to index
        %get3A_219 = arith.constant 16 : index
        %get3A_220 = tpu.vector_load %arg11[%get3A_217, %get3A_218, %get3A_219] {strides = array<i32>} : memref<2x80x128xf32, #tpu.memory_space<vmem>>, vector<1x1x16xf32>,
        %get3A_221 = vector.shape_cast %get3A_220 : vector<1x1x16xf32> to vector<16xf32>
        %get3A_222 = arith.constant 1 : i32
        %get3A_223 = arith.index_cast %get3A_222 : i32 to index
        %get3A_224 = arith.index_cast %scan3A_195 : i32 to index
        %get3A_225 = arith.constant 16 : index
        %get3A_226 = tpu.vector_load %arg12[%get3A_223, %get3A_224, %get3A_225] {strides = array<i32>} : memref<2x80x128xf32, #tpu.memory_space<vmem>>, vector<1x1x16xf32>,
        %get3A_227 = vector.shape_cast %get3A_226 : vector<1x1x16xf32> to vector<16xf32>
        %add3A_228 = arith.addf %get3A_221, %get3A_227 : vector<16xf32>
        %max3A_229 = arith.constant 0.000000e+00 : f32
        %max3A_230 = vector.broadcast %max3A_229 : f32 to vector<16xf32>
        %max3A_231 = arith.maximumf %add3A_228, %max3A_230 : vector<16xf32>
        %swap3A_232 = arith.constant 1 : i32
        %swap3A_233 = arith.index_cast %swap3A_232 : i32 to index
        %swap3A_234 = arith.index_cast %scan3A_195 : i32 to index
        %swap3A_235 = arith.constant 16 : index
        %swap3A_236 = tpu.vector_load %arg11[%swap3A_233, %swap3A_234, %swap3A_235] {strides = array<i32>} : memref<2x80x128xf32, #tpu.memory_space<vmem>>, vector<1x1x16xf32>,
        %swap3A_237 = vector.shape_cast %swap3A_236 : vector<1x1x16xf32> to vector<16xf32>
        %swap3A_238 = vector.shape_cast %max3A_231 : vector<16xf32> to vector<1x1x16xf32>
        tpu.vector_store %arg11[%swap3A_233, %swap3A_234, %swap3A_235], %swap3A_238 {strides = array<i32>} : memref<2x80x128xf32, #tpu.memory_space<vmem>>, vector<1x1x16xf32>,
        %get3A_239 = arith.constant 1 : i32
        %get3A_240 = arith.index_cast %get3A_239 : i32 to index
        %get3A_241 = arith.index_cast %scan3A_195 : i32 to index
        %get3A_242 = arith.constant 32 : index
        %get3A_243 = tpu.vector_load %arg11[%get3A_240, %get3A_241, %get3A_242] {strides = array<i32>} : memref<2x80x128xf32, #tpu.memory_space<vmem>>, vector<1x1x16xf32>,
        %get3A_244 = vector.shape_cast %get3A_243 : vector<1x1x16xf32> to vector<16xf32>
        %get3A_245 = arith.constant 1 : i32
        %get3A_246 = arith.index_cast %get3A_245 : i32 to index
        %get3A_247 = arith.index_cast %scan3A_195 : i32 to index
        %get3A_248 = arith.constant 32 : index
        %get3A_249 = tpu.vector_load %arg12[%get3A_246, %get3A_247, %get3A_248] {strides = array<i32>} : memref<2x80x128xf32, #tpu.memory_space<vmem>>, vector<1x1x16xf32>,
        %get3A_250 = vector.shape_cast %get3A_249 : vector<1x1x16xf32> to vector<16xf32>
        %add3A_251 = arith.addf %get3A_244, %get3A_250 : vector<16xf32>
        %max3A_252 = arith.constant 0.000000e+00 : f32
        %max3A_253 = vector.broadcast %max3A_252 : f32 to vector<16xf32>
        %max3A_254 = arith.maximumf %add3A_251, %max3A_253 : vector<16xf32>
        %swap3A_255 = arith.constant 1 : i32
        %swap3A_256 = arith.index_cast %swap3A_255 : i32 to index
        %swap3A_257 = arith.index_cast %scan3A_195 : i32 to index
        %swap3A_258 = arith.constant 32 : index
        %swap3A_259 = tpu.vector_load %arg11[%swap3A_256, %swap3A_257, %swap3A_258] {strides = array<i32>} : memref<2x80x128xf32, #tpu.memory_space<vmem>>, vector<1x1x16xf32>,
        %swap3A_260 = vector.shape_cast %swap3A_259 : vector<1x1x16xf32> to vector<16xf32>
        %swap3A_261 = vector.shape_cast %max3A_254 : vector<16xf32> to vector<1x1x16xf32>
        tpu.vector_store %arg11[%swap3A_256, %swap3A_257, %swap3A_258], %swap3A_261 {strides = array<i32>} : memref<2x80x128xf32, #tpu.memory_space<vmem>>, vector<1x1x16xf32>,
        %get3A_262 = arith.constant 1 : i32
        %get3A_263 = arith.index_cast %get3A_262 : i32 to index
        %get3A_264 = arith.index_cast %scan3A_195 : i32 to index
        %get3A_265 = arith.constant 48 : index
        %get3A_266 = tpu.vector_load %arg11[%get3A_263, %get3A_264, %get3A_265] {strides = array<i32>} : memref<2x80x128xf32, #tpu.memory_space<vmem>>, vector<1x1x16xf32>,
        %get3A_267 = vector.shape_cast %get3A_266 : vector<1x1x16xf32> to vector<16xf32>
        %get3A_268 = arith.constant 1 : i32
        %get3A_269 = arith.index_cast %get3A_268 : i32 to index
        %get3A_270 = arith.index_cast %scan3A_195 : i32 to index
        %get3A_271 = arith.constant 48 : index
        %get3A_272 = tpu.vector_load %arg12[%get3A_269, %get3A_270, %get3A_271] {strides = array<i32>} : memref<2x80x128xf32, #tpu.memory_space<vmem>>, vector<1x1x16xf32>,
        %get3A_273 = vector.shape_cast %get3A_272 : vector<1x1x16xf32> to vector<16xf32>
        %add3A_274 = arith.addf %get3A_267, %get3A_273 : vector<16xf32>
        %max3A_275 = arith.constant 0.000000e+00 : f32
        %max3A_276 = vector.broadcast %max3A_275 : f32 to vector<16xf32>
        %max3A_277 = arith.maximumf %add3A_274, %max3A_276 : vector<16xf32>
        %swap3A_278 = arith.constant 1 : i32
        %swap3A_279 = arith.index_cast %swap3A_278 : i32 to index
        %swap3A_280 = arith.index_cast %scan3A_195 : i32 to index
        %swap3A_281 = arith.constant 48 : index
        %swap3A_282 = tpu.vector_load %arg11[%swap3A_279, %swap3A_280, %swap3A_281] {strides = array<i32>} : memref<2x80x128xf32, #tpu.memory_space<vmem>>, vector<1x1x16xf32>,
        %swap3A_283 = vector.shape_cast %swap3A_282 : vector<1x1x16xf32> to vector<16xf32>
        %swap3A_284 = vector.shape_cast %max3A_277 : vector<16xf32> to vector<1x1x16xf32>
        tpu.vector_store %arg11[%swap3A_279, %swap3A_280, %swap3A_281], %swap3A_284 {strides = array<i32>} : memref<2x80x128xf32, #tpu.memory_space<vmem>>, vector<1x1x16xf32>,
        %get3A_285 = arith.constant 1 : i32
        %get3A_286 = arith.index_cast %get3A_285 : i32 to index
        %get3A_287 = arith.index_cast %scan3A_195 : i32 to index
        %get3A_288 = arith.constant 64 : index
        %get3A_289 = tpu.vector_load %arg11[%get3A_286, %get3A_287, %get3A_288] {strides = array<i32>} : memref<2x80x128xf32, #tpu.memory_space<vmem>>, vector<1x1x16xf32>,
        %get3A_290 = vector.shape_cast %get3A_289 : vector<1x1x16xf32> to vector<16xf32>
        %get3A_291 = arith.constant 1 : i32
        %get3A_292 = arith.index_cast %get3A_291 : i32 to index
        %get3A_293 = arith.index_cast %scan3A_195 : i32 to index
        %get3A_294 = arith.constant 64 : index
        %get3A_295 = tpu.vector_load %arg12[%get3A_292, %get3A_293, %get3A_294] {strides = array<i32>} : memref<2x80x128xf32, #tpu.memory_space<vmem>>, vector<1x1x16xf32>,
        %get3A_296 = vector.shape_cast %get3A_295 : vector<1x1x16xf32> to vector<16xf32>
        %add3A_297 = arith.addf %get3A_290, %get3A_296 : vector<16xf32>
        %max3A_298 = arith.constant 0.000000e+00 : f32
        %max3A_299 = vector.broadcast %max3A_298 : f32 to vector<16xf32>
        %max3A_300 = arith.maximumf %add3A_297, %max3A_299 : vector<16xf32>
        %swap3A_301 = arith.constant 1 : i32
        %swap3A_302 = arith.index_cast %swap3A_301 : i32 to index
        %swap3A_303 = arith.index_cast %scan3A_195 : i32 to index
        %swap3A_304 = arith.constant 64 : index
        %swap3A_305 = tpu.vector_load %arg11[%swap3A_302, %swap3A_303, %swap3A_304] {strides = array<i32>} : memref<2x80x128xf32, #tpu.memory_space<vmem>>, vector<1x1x16xf32>,
        %swap3A_306 = vector.shape_cast %swap3A_305 : vector<1x1x16xf32> to vector<16xf32>
        %swap3A_307 = vector.shape_cast %max3A_300 : vector<16xf32> to vector<1x1x16xf32>
        tpu.vector_store %arg11[%swap3A_302, %swap3A_303, %swap3A_304], %swap3A_307 {strides = array<i32>} : memref<2x80x128xf32, #tpu.memory_space<vmem>>, vector<1x1x16xf32>,
        %get3A_308 = arith.constant 1 : i32
        %get3A_309 = arith.index_cast %get3A_308 : i32 to index
        %get3A_310 = arith.index_cast %scan3A_195 : i32 to index
        %get3A_311 = arith.constant 80 : index
        %get3A_312 = tpu.vector_load %arg11[%get3A_309, %get3A_310, %get3A_311] {strides = array<i32>} : memref<2x80x128xf32, #tpu.memory_space<vmem>>, vector<1x1x16xf32>,
        %get3A_313 = vector.shape_cast %get3A_312 : vector<1x1x16xf32> to vector<16xf32>
        %get3A_314 = arith.constant 1 : i32
        %get3A_315 = arith.index_cast %get3A_314 : i32 to index
        %get3A_316 = arith.index_cast %scan3A_195 : i32 to index
        %get3A_317 = arith.constant 80 : index
        %get3A_318 = tpu.vector_load %arg12[%get3A_315, %get3A_316, %get3A_317] {strides = array<i32>} : memref<2x80x128xf32, #tpu.memory_space<vmem>>, vector<1x1x16xf32>,
        %get3A_319 = vector.shape_cast %get3A_318 : vector<1x1x16xf32> to vector<16xf32>
        %add3A_320 = arith.addf %get3A_313, %get3A_319 : vector<16xf32>
        %max3A_321 = arith.constant 0.000000e+00 : f32
        %max3A_322 = vector.broadcast %max3A_321 : f32 to vector<16xf32>
        %max3A_323 = arith.maximumf %add3A_320, %max3A_322 : vector<16xf32>
        %swap3A_324 = arith.constant 1 : i32
        %swap3A_325 = arith.index_cast %swap3A_324 : i32 to index
        %swap3A_326 = arith.index_cast %scan3A_195 : i32 to index
        %swap3A_327 = arith.constant 80 : index
        %swap3A_328 = tpu.vector_load %arg11[%swap3A_325, %swap3A_326, %swap3A_327] {strides = array<i32>} : memref<2x80x128xf32, #tpu.memory_space<vmem>>, vector<1x1x16xf32>,
        %swap3A_329 = vector.shape_cast %swap3A_328 : vector<1x1x16xf32> to vector<16xf32>
        %swap3A_330 = vector.shape_cast %max3A_323 : vector<16xf32> to vector<1x1x16xf32>
        tpu.vector_store %arg11[%swap3A_325, %swap3A_326, %swap3A_327], %swap3A_330 {strides = array<i32>} : memref<2x80x128xf32, #tpu.memory_space<vmem>>, vector<1x1x16xf32>,
        %get3A_331 = arith.constant 1 : i32
        %get3A_332 = arith.index_cast %get3A_331 : i32 to index
        %get3A_333 = arith.index_cast %scan3A_195 : i32 to index
        %get3A_334 = arith.constant 96 : index
        %get3A_335 = tpu.vector_load %arg11[%get3A_332, %get3A_333, %get3A_334] {strides = array<i32>} : memref<2x80x128xf32, #tpu.memory_space<vmem>>, vector<1x1x16xf32>,
        %get3A_336 = vector.shape_cast %get3A_335 : vector<1x1x16xf32> to vector<16xf32>
        %get3A_337 = arith.constant 1 : i32
        %get3A_338 = arith.index_cast %get3A_337 : i32 to index
        %get3A_339 = arith.index_cast %scan3A_195 : i32 to index
        %get3A_340 = arith.constant 96 : index
        %get3A_341 = tpu.vector_load %arg12[%get3A_338, %get3A_339, %get3A_340] {strides = array<i32>} : memref<2x80x128xf32, #tpu.memory_space<vmem>>, vector<1x1x16xf32>,
        %get3A_342 = vector.shape_cast %get3A_341 : vector<1x1x16xf32> to vector<16xf32>
        %add3A_343 = arith.addf %get3A_336, %get3A_342 : vector<16xf32>
        %max3A_344 = arith.constant 0.000000e+00 : f32
        %max3A_345 = vector.broadcast %max3A_344 : f32 to vector<16xf32>
        %max3A_346 = arith.maximumf %add3A_343, %max3A_345 : vector<16xf32>
        %swap3A_347 = arith.constant 1 : i32
        %swap3A_348 = arith.index_cast %swap3A_347 : i32 to index
        %swap3A_349 = arith.index_cast %scan3A_195 : i32 to index
        %swap3A_350 = arith.constant 96 : index
        %swap3A_351 = tpu.vector_load %arg11[%swap3A_348, %swap3A_349, %swap3A_350] {strides = array<i32>} : memref<2x80x128xf32, #tpu.memory_space<vmem>>, vector<1x1x16xf32>,
        %swap3A_352 = vector.shape_cast %swap3A_351 : vector<1x1x16xf32> to vector<16xf32>
        %swap3A_353 = vector.shape_cast %max3A_346 : vector<16xf32> to vector<1x1x16xf32>
        tpu.vector_store %arg11[%swap3A_348, %swap3A_349, %swap3A_350], %swap3A_353 {strides = array<i32>} : memref<2x80x128xf32, #tpu.memory_space<vmem>>, vector<1x1x16xf32>,
        %get3A_354 = arith.constant 1 : i32
        %get3A_355 = arith.index_cast %get3A_354 : i32 to index
        %get3A_356 = arith.index_cast %scan3A_195 : i32 to index
        %get3A_357 = arith.constant 112 : index
        %get3A_358 = tpu.vector_load %arg11[%get3A_355, %get3A_356, %get3A_357] {strides = array<i32>} : memref<2x80x128xf32, #tpu.memory_space<vmem>>, vector<1x1x16xf32>,
        %get3A_359 = vector.shape_cast %get3A_358 : vector<1x1x16xf32> to vector<16xf32>
        %get3A_360 = arith.constant 1 : i32
        %get3A_361 = arith.index_cast %get3A_360 : i32 to index
        %get3A_362 = arith.index_cast %scan3A_195 : i32 to index
        %get3A_363 = arith.constant 112 : index
        %get3A_364 = tpu.vector_load %arg12[%get3A_361, %get3A_362, %get3A_363] {strides = array<i32>} : memref<2x80x128xf32, #tpu.memory_space<vmem>>, vector<1x1x16xf32>,
        %get3A_365 = vector.shape_cast %get3A_364 : vector<1x1x16xf32> to vector<16xf32>
        %add3A_366 = arith.addf %get3A_359, %get3A_365 : vector<16xf32>
        %max3A_367 = arith.constant 0.000000e+00 : f32
        %max3A_368 = vector.broadcast %max3A_367 : f32 to vector<16xf32>
        %max3A_369 = arith.maximumf %add3A_366, %max3A_368 : vector<16xf32>
        %swap3A_370 = arith.constant 1 : i32
        %swap3A_371 = arith.index_cast %swap3A_370 : i32 to index
        %swap3A_372 = arith.index_cast %scan3A_195 : i32 to index
        %swap3A_373 = arith.constant 112 : index
        %swap3A_374 = tpu.vector_load %arg11[%swap3A_371, %swap3A_372, %swap3A_373] {strides = array<i32>} : memref<2x80x128xf32, #tpu.memory_space<vmem>>, vector<1x1x16xf32>,
        %swap3A_375 = vector.shape_cast %swap3A_374 : vector<1x1x16xf32> to vector<16xf32>
        %swap3A_376 = vector.shape_cast %max3A_369 : vector<16xf32> to vector<1x1x16xf32>
        tpu.vector_store %arg11[%swap3A_371, %swap3A_372, %swap3A_373], %swap3A_376 {strides = array<i32>} : memref<2x80x128xf32, #tpu.memory_space<vmem>>, vector<1x1x16xf32>,
      }
      %scan3A_193 = arith.constant 80 : i32
      %run_scoped3A_194 = arith.constant 1 : i32
      "tpu.region"() ({
        %run_scoped3A_195 = tpu.sem_alloc : memref<!tpu.dma_semaphore, #tpu.memory_space<semaphore_mem>>
        %dma_start3A_196 = arith.constant 0 : i32
        %dma_start3A_197 = arith.constant 0 : i32
        %dma_start3A_198 = tpu.memref_slice %arg11[%run_scoped3A_194, %dma_start3A_196, %dma_start3A_197] : memref<2x80x128xf32, #tpu.memory_space<vmem>> -> memref<1x80x128xf32, #tpu.memory_space<vmem>>
        %dma_start3A_199 = tpu.memref_squeeze %dma_start3A_198 : memref<1x80x128xf32, #tpu.memory_space<vmem>> -> memref<80x128xf32, #tpu.memory_space<vmem>>
        %dma_start3A_200 = arith.constant 0 : i32
        %dma_start3A_201 = arith.constant 0 : i32
        %dma_start3A_202 = tpu.memref_slice %arg6[%dma_start3A_200, %dma_start3A_201] : memref<10112x128xf32, #tpu.memory_space<vmem_shared>> -> memref<10112x128xf32, #tpu.memory_space<vmem_shared>>
        tpu.enqueue_indirect_dma source(%dma_start3A_199 : memref<80x128xf32, #tpu.memory_space<vmem>>) target(%dma_start3A_202 : memref<10112x128xf32, #tpu.memory_space<vmem_shared>>) offsets(%arg10 : memref<80xi32, #tpu.memory_space<vmem>>) semaphore(%run_scoped3A_195 : memref<!tpu.dma_semaphore, #tpu.memory_space<semaphore_mem>>) {add = true}
        %dma_wait3A_203 = arith.constant 0 : i32
        %dma_wait3A_204 = arith.constant 0 : i32
        %dma_wait3A_205 = tpu.memref_slice %arg11[%run_scoped3A_194, %dma_wait3A_203, %dma_wait3A_204] : memref<2x80x128xf32, #tpu.memory_space<vmem>> -> memref<1x80x128xf32, #tpu.memory_space<vmem>>
        %dma_wait3A_206 = tpu.memref_squeeze %dma_wait3A_205 : memref<1x80x128xf32, #tpu.memory_space<vmem>> -> memref<80x128xf32, #tpu.memory_space<vmem>>
        %dma_wait3A_207 = arith.constant 0 : i32
        %dma_wait3A_208 = arith.constant 0 : i32
        %dma_wait3A_209 = tpu.memref_slice %arg6[%dma_wait3A_207, %dma_wait3A_208] : memref<10112x128xf32, #tpu.memory_space<vmem_shared>> -> memref<10112x128xf32, #tpu.memory_space<vmem_shared>>
        tpu.wait_indirect_dma semaphore(%run_scoped3A_195 : memref<!tpu.dma_semaphore, #tpu.memory_space<semaphore_mem>>) src(%dma_wait3A_206 : memref<80x128xf32, #tpu.memory_space<vmem>>) dst(%dma_wait3A_209 : memref<10112x128xf32, #tpu.memory_space<vmem_shared>>)
        tpu.yield
      }) : () -> ()
    }
    %scan3A_72 = arith.constant 62 : i32
    %dma_wait3A = arith.constant 0 : i32
    %dma_wait3A_73 = arith.constant 0 : i32
    %dma_wait3A_74 = arith.constant 0 : i32
    %dma_wait3A_75 = tpu.memref_slice %arg11[%dma_wait3A, %dma_wait3A_73, %dma_wait3A_74] : memref<2x80x128xf32, #tpu.memory_space<vmem>> -> memref<1x80x128xf32, #tpu.memory_space<vmem>>
    %dma_wait3A_76 = tpu.memref_squeeze %dma_wait3A_75 : memref<1x80x128xf32, #tpu.memory_space<vmem>> -> memref<80x128xf32, #tpu.memory_space<vmem>>
    %dma_wait3A_77 = arith.constant 0 : i32
    %dma_wait3A_78 = arith.constant 0 : i32
    %dma_wait3A_79 = tpu.memref_slice %arg2[%dma_wait3A_77, %dma_wait3A_78] : memref<10000x128xf32, #tpu.memory_space<hbm>> -> memref<10000x128xf32, #tpu.memory_space<hbm>>
    tpu.wait_indirect_dma semaphore(%arg13 : memref<!tpu.dma_semaphore, #tpu.memory_space<semaphore_mem>>) src(%dma_wait3A_79 : memref<10000x128xf32, #tpu.memory_space<hbm>>) dst(%dma_wait3A_76 : memref<80x128xf32, #tpu.memory_space<vmem>>)
    %dma_wait3A_80 = arith.constant 0 : i32
    %dma_wait3A_81 = arith.constant 0 : i32
    %dma_wait3A_82 = arith.constant 0 : i32
    %dma_wait3A_83 = tpu.memref_slice %arg12[%dma_wait3A_80, %dma_wait3A_81, %dma_wait3A_82] : memref<2x80x128xf32, #tpu.memory_space<vmem>> -> memref<1x80x128xf32, #tpu.memory_space<vmem>>
    %dma_wait3A_84 = tpu.memref_squeeze %dma_wait3A_83 : memref<1x80x128xf32, #tpu.memory_space<vmem>> -> memref<80x128xf32, #tpu.memory_space<vmem>>
    %dma_wait3A_85 = arith.constant 0 : i32
    %dma_wait3A_86 = tpu.memref_slice %arg3[%mul3A_32, %dma_wait3A_85] : memref<320000x128xf32, #tpu.memory_space<hbm>> -> memref<80x128xf32, #tpu.memory_space<hbm>>
    %dma_wait3A_87 = arith.constant 0 : i32
    %dma_wait3A_88 = arith.constant 0 : i32
    %dma_wait3A_89 = tpu.memref_slice %arg12[%dma_wait3A_80, %dma_wait3A_87, %dma_wait3A_88] : memref<2x80x128xf32, #tpu.memory_space<vmem>> -> memref<1x80x128xf32, #tpu.memory_space<vmem>>
    %dma_wait3A_90 = tpu.memref_squeeze %dma_wait3A_89 : memref<1x80x128xf32, #tpu.memory_space<vmem>> -> memref<80x128xf32, #tpu.memory_space<vmem>>
    %dma_wait3A_91 = arith.constant 0 : i32
    %dma_wait3A_92 = tpu.memref_slice %arg3[%mul3A_32, %dma_wait3A_91] : memref<320000x128xf32, #tpu.memory_space<hbm>> -> memref<80x128xf32, #tpu.memory_space<hbm>>
    tpu.wait_dma2 semaphore(%arg13 : memref<!tpu.dma_semaphore, #tpu.memory_space<semaphore_mem>>) src(%dma_wait3A_92 : memref<80x128xf32, #tpu.memory_space<hbm>>) dst(%dma_wait3A_90 : memref<80x128xf32, #tpu.memory_space<vmem>>)
    %dma_wait3A_93 = tpu.memref_slice %arg4[%mul3A_32] : memref<640000xi32, #tpu.memory_space<hbm>> -> memref<80xi32, #tpu.memory_space<hbm>>
    %dma_wait3A_94 = tpu.memref_slice %arg4[%mul3A_32] : memref<640000xi32, #tpu.memory_space<hbm>> -> memref<80xi32, #tpu.memory_space<hbm>>
    tpu.wait_dma2 semaphore(%arg13 : memref<!tpu.dma_semaphore, #tpu.memory_space<semaphore_mem>>) src(%dma_wait3A_94 : memref<80xi32, #tpu.memory_space<hbm>>) dst(%arg9 : memref<80xi32, #tpu.memory_space<vmem>>)
    %scan3A_95 = arith.constant 0 : i32
    %scan3A_96 = arith.constant 0 : i32
    %scan3A_97 = arith.constant 80 : i32
    %scan3A_98 = arith.addi %scan3A_96, %scan3A_97 : i32
    %scan3A_99 = arith.constant 1 : i32
    scf.for %scan3A_103 = %scan3A_96 to %scan3A_98 step %scan3A_99  : i32 {
      %get3A = arith.constant 0 : i32
      %get3A_104 = arith.index_cast %get3A : i32 to index
      %get3A_105 = arith.index_cast %scan3A_103 : i32 to index
      %get3A_106 = arith.constant 0 : index
      %get3A_107 = tpu.vector_load %arg11[%get3A_104, %get3A_105, %get3A_106] {strides = array<i32>} : memref<2x80x128xf32, #tpu.memory_space<vmem>>, vector<1x1x16xf32>,
      %get3A_108 = vector.shape_cast %get3A_107 : vector<1x1x16xf32> to vector<16xf32>
      %get3A_109 = arith.constant 0 : i32
      %get3A_110 = arith.index_cast %get3A_109 : i32 to index
      %get3A_111 = arith.index_cast %scan3A_103 : i32 to index
      %get3A_112 = arith.constant 0 : index
      %get3A_113 = tpu.vector_load %arg12[%get3A_110, %get3A_111, %get3A_112] {strides = array<i32>} : memref<2x80x128xf32, #tpu.memory_space<vmem>>, vector<1x1x16xf32>,
      %get3A_114 = vector.shape_cast %get3A_113 : vector<1x1x16xf32> to vector<16xf32>
      %add3A_115 = arith.addf %get3A_108, %get3A_114 : vector<16xf32>
      %max3A = arith.constant 0.000000e+00 : f32
      %max3A_116 = vector.broadcast %max3A : f32 to vector<16xf32>
      %max3A_117 = arith.maximumf %add3A_115, %max3A_116 : vector<16xf32>
      %swap3A = arith.constant 0 : i32
      %swap3A_118 = arith.index_cast %swap3A : i32 to index
      %swap3A_119 = arith.index_cast %scan3A_103 : i32 to index
      %swap3A_120 = arith.constant 0 : index
      %swap3A_121 = tpu.vector_load %arg11[%swap3A_118, %swap3A_119, %swap3A_120] {strides = array<i32>} : memref<2x80x128xf32, #tpu.memory_space<vmem>>, vector<1x1x16xf32>,
      %swap3A_122 = vector.shape_cast %swap3A_121 : vector<1x1x16xf32> to vector<16xf32>
      %swap3A_123 = vector.shape_cast %max3A_117 : vector<16xf32> to vector<1x1x16xf32>
      tpu.vector_store %arg11[%swap3A_118, %swap3A_119, %swap3A_120], %swap3A_123 {strides = array<i32>} : memref<2x80x128xf32, #tpu.memory_space<vmem>>, vector<1x1x16xf32>,
      %get3A_124 = arith.constant 0 : i32
      %get3A_125 = arith.index_cast %get3A_124 : i32 to index
      %get3A_126 = arith.index_cast %scan3A_103 : i32 to index
      %get3A_127 = arith.constant 16 : index
      %get3A_128 = tpu.vector_load %arg11[%get3A_125, %get3A_126, %get3A_127] {strides = array<i32>} : memref<2x80x128xf32, #tpu.memory_space<vmem>>, vector<1x1x16xf32>,
      %get3A_129 = vector.shape_cast %get3A_128 : vector<1x1x16xf32> to vector<16xf32>
      %get3A_130 = arith.constant 0 : i32
      %get3A_131 = arith.index_cast %get3A_130 : i32 to index
      %get3A_132 = arith.index_cast %scan3A_103 : i32 to index
      %get3A_133 = arith.constant 16 : index
      %get3A_134 = tpu.vector_load %arg12[%get3A_131, %get3A_132, %get3A_133] {strides = array<i32>} : memref<2x80x128xf32, #tpu.memory_space<vmem>>, vector<1x1x16xf32>,
      %get3A_135 = vector.shape_cast %get3A_134 : vector<1x1x16xf32> to vector<16xf32>
      %add3A_136 = arith.addf %get3A_129, %get3A_135 : vector<16xf32>
      %max3A_137 = arith.constant 0.000000e+00 : f32
      %max3A_138 = vector.broadcast %max3A_137 : f32 to vector<16xf32>
      %max3A_139 = arith.maximumf %add3A_136, %max3A_138 : vector<16xf32>
      %swap3A_140 = arith.constant 0 : i32
      %swap3A_141 = arith.index_cast %swap3A_140 : i32 to index
      %swap3A_142 = arith.index_cast %scan3A_103 : i32 to index
      %swap3A_143 = arith.constant 16 : index
      %swap3A_144 = tpu.vector_load %arg11[%swap3A_141, %swap3A_142, %swap3A_143] {strides = array<i32>} : memref<2x80x128xf32, #tpu.memory_space<vmem>>, vector<1x1x16xf32>,
      %swap3A_145 = vector.shape_cast %swap3A_144 : vector<1x1x16xf32> to vector<16xf32>
      %swap3A_146 = vector.shape_cast %max3A_139 : vector<16xf32> to vector<1x1x16xf32>
      tpu.vector_store %arg11[%swap3A_141, %swap3A_142, %swap3A_143], %swap3A_146 {strides = array<i32>} : memref<2x80x128xf32, #tpu.memory_space<vmem>>, vector<1x1x16xf32>,
      %get3A_147 = arith.constant 0 : i32
      %get3A_148 = arith.index_cast %get3A_147 : i32 to index
      %get3A_149 = arith.index_cast %scan3A_103 : i32 to index
      %get3A_150 = arith.constant 32 : index
      %get3A_151 = tpu.vector_load %arg11[%get3A_148, %get3A_149, %get3A_150] {strides = array<i32>} : memref<2x80x128xf32, #tpu.memory_space<vmem>>, vector<1x1x16xf32>,
      %get3A_152 = vector.shape_cast %get3A_151 : vector<1x1x16xf32> to vector<16xf32>
      %get3A_153 = arith.constant 0 : i32
      %get3A_154 = arith.index_cast %get3A_153 : i32 to index
      %get3A_155 = arith.index_cast %scan3A_103 : i32 to index
      %get3A_156 = arith.constant 32 : index
      %get3A_157 = tpu.vector_load %arg12[%get3A_154, %get3A_155, %get3A_156] {strides = array<i32>} : memref<2x80x128xf32, #tpu.memory_space<vmem>>, vector<1x1x16xf32>,
      %get3A_158 = vector.shape_cast %get3A_157 : vector<1x1x16xf32> to vector<16xf32>
      %add3A_159 = arith.addf %get3A_152, %get3A_158 : vector<16xf32>
      %max3A_160 = arith.constant 0.000000e+00 : f32
      %max3A_161 = vector.broadcast %max3A_160 : f32 to vector<16xf32>
      %max3A_162 = arith.maximumf %add3A_159, %max3A_161 : vector<16xf32>
      %swap3A_163 = arith.constant 0 : i32
      %swap3A_164 = arith.index_cast %swap3A_163 : i32 to index
      %swap3A_165 = arith.index_cast %scan3A_103 : i32 to index
      %swap3A_166 = arith.constant 32 : index
      %swap3A_167 = tpu.vector_load %arg11[%swap3A_164, %swap3A_165, %swap3A_166] {strides = array<i32>} : memref<2x80x128xf32, #tpu.memory_space<vmem>>, vector<1x1x16xf32>,
      %swap3A_168 = vector.shape_cast %swap3A_167 : vector<1x1x16xf32> to vector<16xf32>
      %swap3A_169 = vector.shape_cast %max3A_162 : vector<16xf32> to vector<1x1x16xf32>
      tpu.vector_store %arg11[%swap3A_164, %swap3A_165, %swap3A_166], %swap3A_169 {strides = array<i32>} : memref<2x80x128xf32, #tpu.memory_space<vmem>>, vector<1x1x16xf32>,
      %get3A_170 = arith.constant 0 : i32
      %get3A_171 = arith.index_cast %get3A_170 : i32 to index
      %get3A_172 = arith.index_cast %scan3A_103 : i32 to index
      %get3A_173 = arith.constant 48 : index
      %get3A_174 = tpu.vector_load %arg11[%get3A_171, %get3A_172, %get3A_173] {strides = array<i32>} : memref<2x80x128xf32, #tpu.memory_space<vmem>>, vector<1x1x16xf32>,
      %get3A_175 = vector.shape_cast %get3A_174 : vector<1x1x16xf32> to vector<16xf32>
      %get3A_176 = arith.constant 0 : i32
      %get3A_177 = arith.index_cast %get3A_176 : i32 to index
      %get3A_178 = arith.index_cast %scan3A_103 : i32 to index
      %get3A_179 = arith.constant 48 : index
      %get3A_180 = tpu.vector_load %arg12[%get3A_177, %get3A_178, %get3A_179] {strides = array<i32>} : memref<2x80x128xf32, #tpu.memory_space<vmem>>, vector<1x1x16xf32>,
      %get3A_181 = vector.shape_cast %get3A_180 : vector<1x1x16xf32> to vector<16xf32>
      %add3A_182 = arith.addf %get3A_175, %get3A_181 : vector<16xf32>
      %max3A_183 = arith.constant 0.000000e+00 : f32
      %max3A_184 = vector.broadcast %max3A_183 : f32 to vector<16xf32>
      %max3A_185 = arith.maximumf %add3A_182, %max3A_184 : vector<16xf32>
      %swap3A_186 = arith.constant 0 : i32
      %swap3A_187 = arith.index_cast %swap3A_186 : i32 to index
      %swap3A_188 = arith.index_cast %scan3A_103 : i32 to index
      %swap3A_189 = arith.constant 48 : index
      %swap3A_190 = tpu.vector_load %arg11[%swap3A_187, %swap3A_188, %swap3A_189] {strides = array<i32>} : memref<2x80x128xf32, #tpu.memory_space<vmem>>, vector<1x1x16xf32>,
      %swap3A_191 = vector.shape_cast %swap3A_190 : vector<1x1x16xf32> to vector<16xf32>
      %swap3A_192 = vector.shape_cast %max3A_185 : vector<16xf32> to vector<1x1x16xf32>
      tpu.vector_store %arg11[%swap3A_187, %swap3A_188, %swap3A_189], %swap3A_192 {strides = array<i32>} : memref<2x80x128xf32, #tpu.memory_space<vmem>>, vector<1x1x16xf32>,
      %get3A_193 = arith.constant 0 : i32
      %get3A_194 = arith.index_cast %get3A_193 : i32 to index
      %get3A_195 = arith.index_cast %scan3A_103 : i32 to index
      %get3A_196 = arith.constant 64 : index
      %get3A_197 = tpu.vector_load %arg11[%get3A_194, %get3A_195, %get3A_196] {strides = array<i32>} : memref<2x80x128xf32, #tpu.memory_space<vmem>>, vector<1x1x16xf32>,
      %get3A_198 = vector.shape_cast %get3A_197 : vector<1x1x16xf32> to vector<16xf32>
      %get3A_199 = arith.constant 0 : i32
      %get3A_200 = arith.index_cast %get3A_199 : i32 to index
      %get3A_201 = arith.index_cast %scan3A_103 : i32 to index
      %get3A_202 = arith.constant 64 : index
      %get3A_203 = tpu.vector_load %arg12[%get3A_200, %get3A_201, %get3A_202] {strides = array<i32>} : memref<2x80x128xf32, #tpu.memory_space<vmem>>, vector<1x1x16xf32>,
      %get3A_204 = vector.shape_cast %get3A_203 : vector<1x1x16xf32> to vector<16xf32>
      %add3A_205 = arith.addf %get3A_198, %get3A_204 : vector<16xf32>
      %max3A_206 = arith.constant 0.000000e+00 : f32
      %max3A_207 = vector.broadcast %max3A_206 : f32 to vector<16xf32>
      %max3A_208 = arith.maximumf %add3A_205, %max3A_207 : vector<16xf32>
      %swap3A_209 = arith.constant 0 : i32
      %swap3A_210 = arith.index_cast %swap3A_209 : i32 to index
      %swap3A_211 = arith.index_cast %scan3A_103 : i32 to index
      %swap3A_212 = arith.constant 64 : index
      %swap3A_213 = tpu.vector_load %arg11[%swap3A_210, %swap3A_211, %swap3A_212] {strides = array<i32>} : memref<2x80x128xf32, #tpu.memory_space<vmem>>, vector<1x1x16xf32>,
      %swap3A_214 = vector.shape_cast %swap3A_213 : vector<1x1x16xf32> to vector<16xf32>
      %swap3A_215 = vector.shape_cast %max3A_208 : vector<16xf32> to vector<1x1x16xf32>
      tpu.vector_store %arg11[%swap3A_210, %swap3A_211, %swap3A_212], %swap3A_215 {strides = array<i32>} : memref<2x80x128xf32, #tpu.memory_space<vmem>>, vector<1x1x16xf32>,
      %get3A_216 = arith.constant 0 : i32
      %get3A_217 = arith.index_cast %get3A_216 : i32 to index
      %get3A_218 = arith.index_cast %scan3A_103 : i32 to index
      %get3A_219 = arith.constant 80 : index
      %get3A_220 = tpu.vector_load %arg11[%get3A_217, %get3A_218, %get3A_219] {strides = array<i32>} : memref<2x80x128xf32, #tpu.memory_space<vmem>>, vector<1x1x16xf32>,
      %get3A_221 = vector.shape_cast %get3A_220 : vector<1x1x16xf32> to vector<16xf32>
      %get3A_222 = arith.constant 0 : i32
      %get3A_223 = arith.index_cast %get3A_222 : i32 to index
      %get3A_224 = arith.index_cast %scan3A_103 : i32 to index
      %get3A_225 = arith.constant 80 : index
      %get3A_226 = tpu.vector_load %arg12[%get3A_223, %get3A_224, %get3A_225] {strides = array<i32>} : memref<2x80x128xf32, #tpu.memory_space<vmem>>, vector<1x1x16xf32>,
      %get3A_227 = vector.shape_cast %get3A_226 : vector<1x1x16xf32> to vector<16xf32>
      %add3A_228 = arith.addf %get3A_221, %get3A_227 : vector<16xf32>
      %max3A_229 = arith.constant 0.000000e+00 : f32
      %max3A_230 = vector.broadcast %max3A_229 : f32 to vector<16xf32>
      %max3A_231 = arith.maximumf %add3A_228, %max3A_230 : vector<16xf32>
      %swap3A_232 = arith.constant 0 : i32
      %swap3A_233 = arith.index_cast %swap3A_232 : i32 to index
      %swap3A_234 = arith.index_cast %scan3A_103 : i32 to index
      %swap3A_235 = arith.constant 80 : index
      %swap3A_236 = tpu.vector_load %arg11[%swap3A_233, %swap3A_234, %swap3A_235] {strides = array<i32>} : memref<2x80x128xf32, #tpu.memory_space<vmem>>, vector<1x1x16xf32>,
      %swap3A_237 = vector.shape_cast %swap3A_236 : vector<1x1x16xf32> to vector<16xf32>
      %swap3A_238 = vector.shape_cast %max3A_231 : vector<16xf32> to vector<1x1x16xf32>
      tpu.vector_store %arg11[%swap3A_233, %swap3A_234, %swap3A_235], %swap3A_238 {strides = array<i32>} : memref<2x80x128xf32, #tpu.memory_space<vmem>>, vector<1x1x16xf32>,
      %get3A_239 = arith.constant 0 : i32
      %get3A_240 = arith.index_cast %get3A_239 : i32 to index
      %get3A_241 = arith.index_cast %scan3A_103 : i32 to index
      %get3A_242 = arith.constant 96 : index
      %get3A_243 = tpu.vector_load %arg11[%get3A_240, %get3A_241, %get3A_242] {strides = array<i32>} : memref<2x80x128xf32, #tpu.memory_space<vmem>>, vector<1x1x16xf32>,
      %get3A_244 = vector.shape_cast %get3A_243 : vector<1x1x16xf32> to vector<16xf32>
      %get3A_245 = arith.constant 0 : i32
      %get3A_246 = arith.index_cast %get3A_245 : i32 to index
      %get3A_247 = arith.index_cast %scan3A_103 : i32 to index
      %get3A_248 = arith.constant 96 : index
      %get3A_249 = tpu.vector_load %arg12[%get3A_246, %get3A_247, %get3A_248] {strides = array<i32>} : memref<2x80x128xf32, #tpu.memory_space<vmem>>, vector<1x1x16xf32>,
      %get3A_250 = vector.shape_cast %get3A_249 : vector<1x1x16xf32> to vector<16xf32>
      %add3A_251 = arith.addf %get3A_244, %get3A_250 : vector<16xf32>
      %max3A_252 = arith.constant 0.000000e+00 : f32
      %max3A_253 = vector.broadcast %max3A_252 : f32 to vector<16xf32>
      %max3A_254 = arith.maximumf %add3A_251, %max3A_253 : vector<16xf32>
      %swap3A_255 = arith.constant 0 : i32
      %swap3A_256 = arith.index_cast %swap3A_255 : i32 to index
      %swap3A_257 = arith.index_cast %scan3A_103 : i32 to index
      %swap3A_258 = arith.constant 96 : index
      %swap3A_259 = tpu.vector_load %arg11[%swap3A_256, %swap3A_257, %swap3A_258] {strides = array<i32>} : memref<2x80x128xf32, #tpu.memory_space<vmem>>, vector<1x1x16xf32>,
      %swap3A_260 = vector.shape_cast %swap3A_259 : vector<1x1x16xf32> to vector<16xf32>
      %swap3A_261 = vector.shape_cast %max3A_254 : vector<16xf32> to vector<1x1x16xf32>
      tpu.vector_store %arg11[%swap3A_256, %swap3A_257, %swap3A_258], %swap3A_261 {strides = array<i32>} : memref<2x80x128xf32, #tpu.memory_space<vmem>>, vector<1x1x16xf32>,
      %get3A_262 = arith.constant 0 : i32
      %get3A_263 = arith.index_cast %get3A_262 : i32 to index
      %get3A_264 = arith.index_cast %scan3A_103 : i32 to index
      %get3A_265 = arith.constant 112 : index
      %get3A_266 = tpu.vector_load %arg11[%get3A_263, %get3A_264, %get3A_265] {strides = array<i32>} : memref<2x80x128xf32, #tpu.memory_space<vmem>>, vector<1x1x16xf32>,
      %get3A_267 = vector.shape_cast %get3A_266 : vector<1x1x16xf32> to vector<16xf32>
      %get3A_268 = arith.constant 0 : i32
      %get3A_269 = arith.index_cast %get3A_268 : i32 to index
      %get3A_270 = arith.index_cast %scan3A_103 : i32 to index
      %get3A_271 = arith.constant 112 : index
      %get3A_272 = tpu.vector_load %arg12[%get3A_269, %get3A_270, %get3A_271] {strides = array<i32>} : memref<2x80x128xf32, #tpu.memory_space<vmem>>, vector<1x1x16xf32>,
      %get3A_273 = vector.shape_cast %get3A_272 : vector<1x1x16xf32> to vector<16xf32>
      %add3A_274 = arith.addf %get3A_267, %get3A_273 : vector<16xf32>
      %max3A_275 = arith.constant 0.000000e+00 : f32
      %max3A_276 = vector.broadcast %max3A_275 : f32 to vector<16xf32>
      %max3A_277 = arith.maximumf %add3A_274, %max3A_276 : vector<16xf32>
      %swap3A_278 = arith.constant 0 : i32
      %swap3A_279 = arith.index_cast %swap3A_278 : i32 to index
      %swap3A_280 = arith.index_cast %scan3A_103 : i32 to index
      %swap3A_281 = arith.constant 112 : index
      %swap3A_282 = tpu.vector_load %arg11[%swap3A_279, %swap3A_280, %swap3A_281] {strides = array<i32>} : memref<2x80x128xf32, #tpu.memory_space<vmem>>, vector<1x1x16xf32>,
      %swap3A_283 = vector.shape_cast %swap3A_282 : vector<1x1x16xf32> to vector<16xf32>
      %swap3A_284 = vector.shape_cast %max3A_277 : vector<16xf32> to vector<1x1x16xf32>
      tpu.vector_store %arg11[%swap3A_279, %swap3A_280, %swap3A_281], %swap3A_284 {strides = array<i32>} : memref<2x80x128xf32, #tpu.memory_space<vmem>>, vector<1x1x16xf32>,
    }
    %scan3A_100 = arith.constant 80 : i32
    %run_scoped3A_101 = arith.constant 0 : i32
    "tpu.region"() ({
      %run_scoped3A_103 = tpu.sem_alloc : memref<!tpu.dma_semaphore, #tpu.memory_space<semaphore_mem>>
      %dma_start3A_104 = arith.constant 0 : i32
      %dma_start3A_105 = arith.constant 0 : i32
      %dma_start3A_106 = tpu.memref_slice %arg11[%run_scoped3A_101, %dma_start3A_104, %dma_start3A_105] : memref<2x80x128xf32, #tpu.memory_space<vmem>> -> memref<1x80x128xf32, #tpu.memory_space<vmem>>
      %dma_start3A_107 = tpu.memref_squeeze %dma_start3A_106 : memref<1x80x128xf32, #tpu.memory_space<vmem>> -> memref<80x128xf32, #tpu.memory_space<vmem>>
      %dma_start3A_108 = arith.constant 0 : i32
      %dma_start3A_109 = arith.constant 0 : i32
      %dma_start3A_110 = tpu.memref_slice %arg6[%dma_start3A_108, %dma_start3A_109] : memref<10112x128xf32, #tpu.memory_space<vmem_shared>> -> memref<10112x128xf32, #tpu.memory_space<vmem_shared>>
      tpu.enqueue_indirect_dma source(%dma_start3A_107 : memref<80x128xf32, #tpu.memory_space<vmem>>) target(%dma_start3A_110 : memref<10112x128xf32, #tpu.memory_space<vmem_shared>>) offsets(%arg9 : memref<80xi32, #tpu.memory_space<vmem>>) semaphore(%run_scoped3A_103 : memref<!tpu.dma_semaphore, #tpu.memory_space<semaphore_mem>>) {add = true}
      %dma_wait3A_111 = arith.constant 0 : i32
      %dma_wait3A_112 = arith.constant 0 : i32
      %dma_wait3A_113 = tpu.memref_slice %arg11[%run_scoped3A_101, %dma_wait3A_111, %dma_wait3A_112] : memref<2x80x128xf32, #tpu.memory_space<vmem>> -> memref<1x80x128xf32, #tpu.memory_space<vmem>>
      %dma_wait3A_114 = tpu.memref_squeeze %dma_wait3A_113 : memref<1x80x128xf32, #tpu.memory_space<vmem>> -> memref<80x128xf32, #tpu.memory_space<vmem>>
      %dma_wait3A_115 = arith.constant 0 : i32
      %dma_wait3A_116 = arith.constant 0 : i32
      %dma_wait3A_117 = tpu.memref_slice %arg6[%dma_wait3A_115, %dma_wait3A_116] : memref<10112x128xf32, #tpu.memory_space<vmem_shared>> -> memref<10112x128xf32, #tpu.memory_space<vmem_shared>>
      tpu.wait_indirect_dma semaphore(%run_scoped3A_103 : memref<!tpu.dma_semaphore, #tpu.memory_space<semaphore_mem>>) src(%dma_wait3A_114 : memref<80x128xf32, #tpu.memory_space<vmem>>) dst(%dma_wait3A_117 : memref<10112x128xf32, #tpu.memory_space<vmem_shared>>)
      tpu.yield
    }) : () -> ()
    %barrier3A_102 = arith.constant 0 : index
    tpu.barrier barrier_id(%barrier3A_102)
    "tpu.region"() ({
      %run_scoped3A_103 = tpu.sem_alloc : memref<!tpu.dma_semaphore, #tpu.memory_space<semaphore_mem>>
      %dma_start3A_104 = arith.constant 0 : i32
      %dma_start3A_105 = tpu.memref_slice %arg5[%arg0, %mul3A_7, %dma_start3A_104] : memref<2x10112x128xf32, #tpu.memory_space<hbm>> -> memref<1x632x128xf32, #tpu.memory_space<hbm>>
      %dma_start3A_106 = tpu.memref_squeeze %dma_start3A_105 : memref<1x632x128xf32, #tpu.memory_space<hbm>> -> memref<632x128xf32, #tpu.memory_space<hbm>>
      %dma_start3A_107 = arith.constant 0 : i32
      %dma_start3A_108 = tpu.memref_slice %arg6[%mul3A_7, %dma_start3A_107] : memref<10112x128xf32, #tpu.memory_space<vmem_shared>> -> memref<632x128xf32, #tpu.memory_space<vmem_shared>>
      tpu.enqueue_dma source(%dma_start3A_108 : memref<632x128xf32, #tpu.memory_space<vmem_shared>>) target(%dma_start3A_106 : memref<632x128xf32, #tpu.memory_space<hbm>>) target_semaphore(%run_scoped3A_103 : memref<!tpu.dma_semaphore, #tpu.memory_space<semaphore_mem>>)
      %dma_wait3A_109 = arith.constant 0 : i32
      %dma_wait3A_110 = tpu.memref_slice %arg5[%arg0, %mul3A_7, %dma_wait3A_109] : memref<2x10112x128xf32, #tpu.memory_space<hbm>> -> memref<1x632x128xf32, #tpu.memory_space<hbm>>
      %dma_wait3A_111 = tpu.memref_squeeze %dma_wait3A_110 : memref<1x632x128xf32, #tpu.memory_space<hbm>> -> memref<632x128xf32, #tpu.memory_space<hbm>>
      %dma_wait3A_112 = arith.constant 0 : i32
      %dma_wait3A_113 = tpu.memref_slice %arg6[%mul3A_7, %dma_wait3A_112] : memref<10112x128xf32, #tpu.memory_space<vmem_shared>> -> memref<632x128xf32, #tpu.memory_space<vmem_shared>>
      tpu.wait_dma2 semaphore(%run_scoped3A_103 : memref<!tpu.dma_semaphore, #tpu.memory_space<semaphore_mem>>) src(%dma_wait3A_113 : memref<632x128xf32, #tpu.memory_space<vmem_shared>>) dst(%dma_wait3A_111 : memref<632x128xf32, #tpu.memory_space<hbm>>)
      tpu.yield
    }) : () -> ()
    return
  }
}

module attributes {stable_mosaic.version = 14 : i64} {
  func.func @_epilogue_body(%arg0: i32, %arg1: memref<1x2000x128xf32, #tpu.memory_space<vmem>>, %arg2: memref<1x2000x128xf32, #tpu.memory_space<vmem>>, %arg3: memref<2000x128xf32, #tpu.memory_space<vmem>>, %arg4: memref<128x128xf32, #tpu.memory_space<vmem>>, %arg5: memref<128x128xf32, #tpu.memory_space<vmem>>, %arg6: memref<128x128xf32, #tpu.memory_space<vmem>>, %arg7: memref<2000x128xf32, #tpu.memory_space<vmem>>) attributes {dimension_semantics = [#tpu.dimension_semantics<arbitrary>], iteration_bounds = array<i64: 5>, scalar_prefetch = 0 : i64, scratch_operands = 0 : i64, tpu.core_type = #tpu.core_type<tc>, window_params = [{transform_indices = @transform_0, window_bounds = array<i64: 1, 2000, 128>}, {transform_indices = @transform_1, window_bounds = array<i64: 1, 2000, 128>}, {transform_indices = @transform_2, window_bounds = array<i64: 2000, 128>}, {pipeline_mode = #tpu.pipeline_mode<synchronous>, transform_indices = @transform_3, window_bounds = array<i64: 128, 128>}, {pipeline_mode = #tpu.pipeline_mode<synchronous>, transform_indices = @transform_4, window_bounds = array<i64: 128, 128>}, {pipeline_mode = #tpu.pipeline_mode<synchronous>, transform_indices = @transform_5, window_bounds = array<i64: 128, 128>}, {transform_indices = @transform_6, window_bounds = array<i64: 2000, 128>}]} {
    %get3A = arith.constant 0 : index
    %get3A_0 = arith.constant 0 : index
    %get3A_1 = arith.constant 0 : index
    %get3A_2 = vector.load %arg1[%get3A, %get3A_0, %get3A_1] : memref<1x2000x128xf32, #tpu.memory_space<vmem>>, vector<1x2000x128xf32>
    %get3A_3 = vector.shape_cast %get3A_2 : vector<1x2000x128xf32> to vector<2000x128xf32>
    %get3A_4 = arith.constant 0 : index
    %get3A_5 = arith.constant 0 : index
    %get3A_6 = arith.constant 0 : index
    %get3A_7 = vector.load %arg2[%get3A_4, %get3A_5, %get3A_6] : memref<1x2000x128xf32, #tpu.memory_space<vmem>>, vector<1x2000x128xf32>
    %get3A_8 = vector.shape_cast %get3A_7 : vector<1x2000x128xf32> to vector<2000x128xf32>
    %add3A = arith.addf %get3A_3, %get3A_8 : vector<2000x128xf32>
    %get3A_9 = arith.constant 0 : index
    %get3A_10 = arith.constant 0 : index
    %get3A_11 = vector.load %arg3[%get3A_9, %get3A_10] : memref<2000x128xf32, #tpu.memory_space<vmem>>, vector<2000x128xf32>
    %get3A_12 = arith.constant 0 : index
    %get3A_13 = arith.constant 0 : index
    %get3A_14 = vector.load %arg4[%get3A_12, %get3A_13] : memref<128x128xf32, #tpu.memory_space<vmem>>, vector<128x128xf32>
    %dot_general3A = arith.constant dense<0.000000e+00> : vector<2000x128xf32>
    %dot_general3A_15 = tpu.matmul %get3A_11, %get3A_14, %dot_general3A {dimension_numbers = #tpu.dot_dimension_numbers<[1], [0], [0], [1], [0, 0, 1, 1], [], []>, transpose_lhs_hint = false} : vector<2000x128xf32>, vector<128x128xf32>, vector<2000x128xf32> -> vector<2000x128xf32>
    %add3A_16 = arith.addf %add3A, %dot_general3A_15 : vector<2000x128xf32>
    %get3A_17 = arith.constant 0 : index
    %get3A_18 = arith.constant 0 : index
    %get3A_19 = vector.load %arg5[%get3A_17, %get3A_18] : memref<128x128xf32, #tpu.memory_space<vmem>>, vector<128x128xf32>
    %dot_general3A_20 = arith.constant dense<0.000000e+00> : vector<2000x128xf32>
    %dot_general3A_21 = tpu.matmul %add3A_16, %get3A_19, %dot_general3A_20 {dimension_numbers = #tpu.dot_dimension_numbers<[1], [0], [0], [1], [0, 0, 1, 1], [], []>, transpose_lhs_hint = false} : vector<2000x128xf32>, vector<128x128xf32>, vector<2000x128xf32> -> vector<2000x128xf32>
    %get3A_22 = arith.constant 0 : index
    %get3A_23 = arith.constant 0 : index
    %get3A_24 = vector.load %arg6[%get3A_22, %get3A_23] : memref<128x128xf32, #tpu.memory_space<vmem>>, vector<128x128xf32>
    %dot_general3A_25 = arith.constant dense<0.000000e+00> : vector<2000x128xf32>
    %dot_general3A_26 = tpu.matmul %add3A_16, %get3A_24, %dot_general3A_25 {dimension_numbers = #tpu.dot_dimension_numbers<[1], [0], [0], [1], [0, 0, 1, 1], [], []>, transpose_lhs_hint = false} : vector<2000x128xf32>, vector<128x128xf32>, vector<2000x128xf32> -> vector<2000x128xf32>
    %logistic3A = arith.negf %dot_general3A_21 : vector<2000x128xf32>
    %logistic3A_27 = math.exp %logistic3A : vector<2000x128xf32>
    %logistic3A_28 = arith.constant 1.000000e+00 : f32
    %logistic3A_29 = vector.broadcast %logistic3A_28 : f32 to vector<2000x128xf32>
    %logistic3A_30 = arith.addf %logistic3A_29, %logistic3A_27 : vector<2000x128xf32>
    %logistic3A_31 = arith.divf %logistic3A_29, %logistic3A_30 : vector<2000x128xf32>
    %tanh3A = math.tanh %dot_general3A_26 : vector<2000x128xf32>
    %mul3A = arith.mulf %logistic3A_31, %tanh3A : vector<2000x128xf32>
    %swap3A = arith.constant 0 : index
    %swap3A_32 = arith.constant 0 : index
    %swap3A_33 = vector.load %arg7[%swap3A, %swap3A_32] : memref<2000x128xf32, #tpu.memory_space<vmem>>, vector<2000x128xf32>
    tpu.vector_store %arg7[%swap3A, %swap3A_32], %mul3A {strides = array<i32>} : memref<2000x128xf32, #tpu.memory_space<vmem>>, vector<2000x128xf32>,
    return
  }
  func.func @transform_0(%arg0: i32) -> (i32, i32, i32) {
    %c0_i32 = arith.constant 0 : i32
    %c0_i32_0 = arith.constant 0 : i32
    %c0_i32_1 = arith.constant 0 : i32
    return %c0_i32, %arg0, %c0_i32_0 : i32, i32, i32
  }
  func.func @transform_1(%arg0: i32) -> (i32, i32, i32) {
    %c1_i32 = arith.constant 1 : i32
    %c0_i32 = arith.constant 0 : i32
    %c0_i32_0 = arith.constant 0 : i32
    return %c1_i32, %arg0, %c0_i32 : i32, i32, i32
  }
  func.func @transform_2(%arg0: i32) -> (i32, i32) {
    %c0_i32 = arith.constant 0 : i32
    %c0_i32_0 = arith.constant 0 : i32
    return %arg0, %c0_i32 : i32, i32
  }
  func.func @transform_3(%arg0: i32) -> (i32, i32) {
    %c0_i32 = arith.constant 0 : i32
    %c0_i32_0 = arith.constant 0 : i32
    %c0_i32_1 = arith.constant 0 : i32
    return %c0_i32, %c0_i32_0 : i32, i32
  }
  func.func @transform_4(%arg0: i32) -> (i32, i32) {
    %c0_i32 = arith.constant 0 : i32
    %c0_i32_0 = arith.constant 0 : i32
    %c0_i32_1 = arith.constant 0 : i32
    return %c0_i32, %c0_i32_0 : i32, i32
  }
  func.func @transform_5(%arg0: i32) -> (i32, i32) {
    %c0_i32 = arith.constant 0 : i32
    %c0_i32_0 = arith.constant 0 : i32
    %c0_i32_1 = arith.constant 0 : i32
    return %c0_i32, %c0_i32_0 : i32, i32
  }
  func.func @transform_6(%arg0: i32) -> (i32, i32) {
    %c0_i32 = arith.constant 0 : i32
    %c0_i32_0 = arith.constant 0 : i32
    return %arg0, %c0_i32 : i32, i32
  }
}

module attributes {stable_mosaic.version = 14 : i64} {
  func.func @_xm_body(%arg0: i32, %arg1: memref<2000x128xf32, #tpu.memory_space<vmem>>, %arg2: memref<128x128xf32, #tpu.memory_space<vmem>>, %arg3: memref<2000x128xf32, #tpu.memory_space<vmem>>) attributes {dimension_semantics = [#tpu.dimension_semantics<arbitrary>], iteration_bounds = array<i64: 5>, scalar_prefetch = 0 : i64, scratch_operands = 0 : i64, tpu.core_type = #tpu.core_type<tc>, window_params = [{transform_indices = @transform_0, window_bounds = array<i64: 2000, 128>}, {pipeline_mode = #tpu.pipeline_mode<synchronous>, transform_indices = @transform_1, window_bounds = array<i64: 128, 128>}, {transform_indices = @transform_2, window_bounds = array<i64: 2000, 128>}]} {
    %get3A = arith.constant 0 : index
    %get3A_0 = arith.constant 0 : index
    %get3A_1 = vector.load %arg1[%get3A, %get3A_0] : memref<2000x128xf32, #tpu.memory_space<vmem>>, vector<2000x128xf32>
    %get3A_2 = arith.constant 0 : index
    %get3A_3 = arith.constant 0 : index
    %get3A_4 = vector.load %arg2[%get3A_2, %get3A_3] : memref<128x128xf32, #tpu.memory_space<vmem>>, vector<128x128xf32>
    %dot_general3A = arith.constant dense<0.000000e+00> : vector<2000x128xf32>
    %dot_general3A_5 = tpu.matmul %get3A_1, %get3A_4, %dot_general3A {dimension_numbers = #tpu.dot_dimension_numbers<[1], [0], [0], [1], [0, 0, 1, 1], [], []>, transpose_lhs_hint = false} : vector<2000x128xf32>, vector<128x128xf32>, vector<2000x128xf32> -> vector<2000x128xf32>
    %swap3A = arith.constant 0 : index
    %swap3A_6 = arith.constant 0 : index
    %swap3A_7 = vector.load %arg3[%swap3A, %swap3A_6] : memref<2000x128xf32, #tpu.memory_space<vmem>>, vector<2000x128xf32>
    tpu.vector_store %arg3[%swap3A, %swap3A_6], %dot_general3A_5 {strides = array<i32>} : memref<2000x128xf32, #tpu.memory_space<vmem>>, vector<2000x128xf32>,
    return
  }
  func.func @transform_0(%arg0: i32) -> (i32, i32) {
    %c0_i32 = arith.constant 0 : i32
    %c0_i32_0 = arith.constant 0 : i32
    return %arg0, %c0_i32 : i32, i32
  }
  func.func @transform_1(%arg0: i32) -> (i32, i32) {
    %c0_i32 = arith.constant 0 : i32
    %c0_i32_0 = arith.constant 0 : i32
    %c0_i32_1 = arith.constant 0 : i32
    return %c0_i32, %c0_i32_0 : i32, i32
  }
  func.func @transform_2(%arg0: i32) -> (i32, i32) {
    %c0_i32 = arith.constant 0 : i32
    %c0_i32_0 = arith.constant 0 : i32
    return %arg0, %c0_i32 : i32, i32
  }
}

module attributes {stable_mosaic.version = 14 : i64} {
  func.func @_em_body(%arg0: i32, %arg1: memref<16x3200xf32, #tpu.memory_space<vmem>>, %arg2: memref<16x128xf32, #tpu.memory_space<vmem>>, %arg3: memref<1x128xf32, #tpu.memory_space<vmem>>, %arg4: memref<3200x128xf32, #tpu.memory_space<vmem>>) attributes {dimension_semantics = [#tpu.dimension_semantics<arbitrary>], iteration_bounds = array<i64: 100>, scalar_prefetch = 0 : i64, scratch_operands = 0 : i64, tpu.core_type = #tpu.core_type<tc>, window_params = [{transform_indices = @transform_0, window_bounds = array<i64: 16, 3200>}, {pipeline_mode = #tpu.pipeline_mode<synchronous>, transform_indices = @transform_1, window_bounds = array<i64: 16, 128>}, {pipeline_mode = #tpu.pipeline_mode<synchronous>, transform_indices = @transform_2, window_bounds = array<i64: 1, 128>}, {transform_indices = @transform_3, window_bounds = array<i64: 3200, 128>}]} {
    %get3A = arith.constant 0 : index
    %get3A_0 = arith.constant 0 : index
    %get3A_1 = vector.load %arg1[%get3A, %get3A_0] : memref<16x3200xf32, #tpu.memory_space<vmem>>, vector<16x3200xf32>
    %get3A_2 = arith.constant 0 : index
    %get3A_3 = arith.constant 0 : index
    %get3A_4 = vector.load %arg2[%get3A_2, %get3A_3] : memref<16x128xf32, #tpu.memory_space<vmem>>, vector<16x128xf32>
    %dot_general3A = arith.constant dense<0.000000e+00> : vector<3200x128xf32>
    %dot_general3A_5 = tpu.matmul %get3A_1, %get3A_4, %dot_general3A {dimension_numbers = #tpu.dot_dimension_numbers<[0], [0], [1], [1], [0, 1, 1, 1], [], []>, transpose_lhs_hint = false} : vector<16x3200xf32>, vector<16x128xf32>, vector<3200x128xf32> -> vector<3200x128xf32>
    %get3A_6 = arith.constant 0 : index
    %get3A_7 = arith.constant 0 : index
    %get3A_8 = vector.load %arg3[%get3A_6, %get3A_7] : memref<1x128xf32, #tpu.memory_space<vmem>>, vector<1x128xf32>
    %add3A = vector.broadcast %get3A_8 : vector<1x128xf32> to vector<3200x128xf32>
    %add3A_9 = arith.addf %dot_general3A_5, %add3A : vector<3200x128xf32>
    %swap3A = arith.constant 0 : index
    %swap3A_10 = arith.constant 0 : index
    %swap3A_11 = vector.load %arg4[%swap3A, %swap3A_10] : memref<3200x128xf32, #tpu.memory_space<vmem>>, vector<3200x128xf32>
    tpu.vector_store %arg4[%swap3A, %swap3A_10], %add3A_9 {strides = array<i32>} : memref<3200x128xf32, #tpu.memory_space<vmem>>, vector<3200x128xf32>,
    return
  }
  func.func @transform_0(%arg0: i32) -> (i32, i32) {
    %c0_i32 = arith.constant 0 : i32
    %c0_i32_0 = arith.constant 0 : i32
    return %c0_i32, %arg0 : i32, i32
  }
  func.func @transform_1(%arg0: i32) -> (i32, i32) {
    %c0_i32 = arith.constant 0 : i32
    %c0_i32_0 = arith.constant 0 : i32
    %c0_i32_1 = arith.constant 0 : i32
    return %c0_i32, %c0_i32_0 : i32, i32
  }
  func.func @transform_2(%arg0: i32) -> (i32, i32) {
    %c0_i32 = arith.constant 0 : i32
    %c0_i32_0 = arith.constant 0 : i32
    %c0_i32_1 = arith.constant 0 : i32
    return %c0_i32, %c0_i32_0 : i32, i32
  }
  func.func @transform_3(%arg0: i32) -> (i32, i32) {
    %c0_i32 = arith.constant 0 : i32
    %c0_i32_0 = arith.constant 0 : i32
    return %arg0, %c0_i32 : i32, i32
  }
}

</mosaic_0001>

<sc_bundles>
// kernel: kernel.6.cloned.1.call-start
scs
__scs_entry_jumppad:
0x0: {  	(pc) =	sbr.rel $0x88, $3  }
0x1: {  	(tag) =	ssettag $0x0;
	lr =	simm.s32 $0x1  }
0x2: {  	[smem:$0x3F98] =	sst lr;
	_ =	strace $0xD0000000  }
0x3: {  	_ = 	snop  }
0x4: {  	_ = 	snop  }
0x5: {  	_ = 	snop  }
0x6: {  	_ = 	snop  }
0x7: {  	_ = 	snop  }
__scs_overlays_trampoline_lowered:
0x8: {  	[smem:$0x3FA7] =	sst s0  }
0x9: {  	[smem:$0x3FA8] =	sst s1  }
0xa: {  	[smem:$0x3FA9] =	sst s2  }
0xb: {  	[smem:$0x3FAA] =	sst s3  }
0xc: {  	[smem:$0x3FAB] =	sst s4  }
0xd: {  	[smem:$0x3FAC] =	sst s5  }
0xe: {  	[smem:$0x3FAD] =	sst s6  }
0xf: {  	[smem:$0x3FAE] =	sst s7  }
0x10: {  	[smem:$0x3FAF] =	sst s8  }
0x11: {  	[smem:$0x3FB0] =	sst s9;
	s0 =	simm.s32 @!p0 $0x0  }
0x12: {  	s1 =	sld [smem:$0x3F96];
	s0 =	simm.s32 @p0 $0x1  }
0x13: {  	[smem:$0x3FB1] =	sst s0;
	s0 =	simm.s32 @!p1 $0x0  }
0x14: {  	s2 =	sld [smem:$0x3F95];
	s0 =	simm.s32 @p1 $0x1  }
0x15: {  	[smem:$0x3FB2] =	sst s0;
	s0 =	simm.s32 @!p2 $0x0  }
0x16: {  	s3 =	sld [smem:$0x3FDB];
	s0 =	simm.s32 @p2 $0x1  }
0x17: {  	s4 =	simm.s32 $0x1BF5;
	[smem:$0x3FB4] =	sst s0  }
0x18: {  	s0 =	sld [smem:$0x3F97];
	_ =	swait.ge [sflag:s4], $0x0  }
0x19: {  	s7 =	sld [smem:$0x3F98]  }
0x1a: {  	s8 =	sadd.s32 $0xFFFFE003, lr  }
0x1b: {  	s9 =	sadd.s32 $0xFFFFFEF7, lr;
	s5 =	simm.s32 $0xFFFFFFFF;
	p2 =	slt.u32 s8, $0xFFFFF086  }
0x1c: {  	p1 =	slt.u32 s9, $0xF7A;
	s5 =	simm.s32 @!p2 $0x0  }
0x1d: {  	s5 =	simm.s32 @p1 $0x1;
	p0 =	seq.s32 s7, s2  }
0x1e: {  	s7 =	smul.u32 @!p0 $0xF7A, s2;
	p2 =	seq.s32 @!p0 s5, $0x0  }
0x1f: {  	s9 =	smul.u32 $0xF7A, s1;
	s8 =	simm.s32 @!p0 $0x1BF5;
	p2 =	por !p2, p0  }
0x20: {  	[sflag:s8] =	ssyncset.s32 @!p0 $0xFFFFF086;
	s6 =	sadd.s32 @!p0 s3, s7;
	s7 =	simm.s32 @!p0 $0x108  }
0x21: {  	s3 =	sadd.s32 s3, s9;
	s6 =	sadd.s32 @!p0 $0x88, s6;
	s7 =	simm.s32 @p2 $0x1082  }
0x22: {  	[simem:s7], [sflag:s8] =	dma.local @!p0 [hbm:s6], $0xF7A  }
0x23: {  	s9 =	sor.u32 $0xD0000000, s2;
	s6 =	simm.s32 $0x108;
	_ =	swait.ge @!p0 [sflag:s8], $0x0  }
0x24: {  	s3 =	sadd.s32 $0x88, s3;
	s6 =	simm.s32 @!p1 $0x1082;
	[sflag:s4] =	ssyncset.s32 $0xFFFFF086  }
0x25: {  	[simem:s6], [sflag:s4] =	dma.local [hbm:s3], $0xF7A  }
0x26: {  	[smem:$0x3F98] =	sst s1;
	(tag) =	ssettag s2;
	_ =	strace s9  }
0x27: {  	s1 =	sld [smem:$0x3FA8]  }
0x28: {  	s2 =	sld [smem:$0x3FA9]  }
0x29: {  	s4 =	sld [smem:$0x3FAB]  }
0x2a: {  	p0 =	seq.s32 s5, $0x0;
	s5 =	sld [smem:$0x3FAC]  }
0x2b: {  	s6 =	sld [smem:$0x3FAD]  }
0x2c: {  	s7 =	sld [smem:$0x3FAE]  }
0x2d: {  	s3 =	simm.s32 $0x108;
	s8 =	sld [smem:$0x3FAF]  }
0x2e: {  	s3 =	simm.s32 @!p0 $0x1082;
	s9 =	sld [smem:$0x3FB0]  }
0x2f: {  	lr =	sadd.s32 s0, s3;
	s0 =	sld [smem:$0x3FA7]  }
0x30: {  	s3 =	sld [smem:$0x3FAA]  }
0x31: {  	[smem:$0x3FB3] =	sst s10  }
0x32: {  	s10 =	sld [smem:$0x3FB1];
	_ =	sdelay $0x3  }
0x33: {  	p0 =	seq.s32 s10, $0x1;
	s10 =	sld [smem:$0x3FB3];
	_ =	sdelay $0x3  }
0x34: {  	[smem:$0x3FB3] =	sst s10  }
0x35: {  	s10 =	sld [smem:$0x3FB2];
	_ =	sdelay $0x3  }
0x36: {  	p1 =	seq.s32 s10, $0x1;
	s10 =	sld [smem:$0x3FB3];
	_ =	sdelay $0x3  }
0x37: {  	[smem:$0x3FB3] =	sst s10  }
0x38: {  	s10 =	sld [smem:$0x3FB4]  }
0x39: {  	_ = 	snop;
	(pc) =	sbr.ind lr, $3  }
0x3a: {  	_ = 	snop  }
0x3b: {  	_ = 	snop  }
0x3c: {  	p2 =	seq.s32 s10, $0x1;
	s10 =	sld [smem:$0x3FB3]  }
0x3d: {  	_ =	shalt  }
0x3e: {  	_ =	shalt  }
0x3f: {  	_ =	shalt  }
0x40: {  	_ =	shalt  }
0x41: {  	_ =	shalt  }
0x42: {  	_ =	shalt  }
0x43: {  	_ =	shalt  }
0x44: {  	_ =	shalt  }
0x45: {  	_ =	shalt  }
0x46: {  	_ =	shalt  }
0x47: {  	_ =	shalt  }
0x48: {  	_ =	shalt  }
0x49: {  	_ =	shalt  }
0x4a: {  	_ =	shalt  }
0x4b: {  	_ =	shalt  }
0x4c: {  	_ =	shalt  }
0x4d: {  	_ =	shalt  }
0x4e: {  	_ =	shalt  }
0x4f: {  	_ =	shalt  }
0x50: {  	_ =	shalt  }
0x51: {  	_ =	shalt  }
0x52: {  	_ =	shalt  }
0x53: {  	_ =	shalt  }
0x54: {  	_ =	shalt  }
0x55: {  	_ =	shalt  }
0x56: {  	_ =	shalt  }
0x57: {  	_ =	shalt  }
0x58: {  	_ =	shalt  }
0x59: {  	_ =	shalt  }
0x5a: {  	_ =	shalt  }
0x5b: {  	_ =	shalt  }
0x5c: {  	_ =	shalt  }
0x5d: {  	_ =	shalt  }
0x5e: {  	_ =	shalt  }
0x5f: {  	_ =	shalt  }
0x60: {  	_ =	shalt  }
0x61: {  	_ =	shalt  }
0x62: {  	_ =	shalt  }
0x63: {  	_ =	shalt  }
0x64: {  	_ =	shalt  }
0x65: {  	_ =	shalt  }
0x66: {  	_ =	shalt  }
0x67: {  	_ =	shalt  }
0x68: {  	_ =	shalt  }
0x69: {  	_ =	shalt  }
0x6a: {  	_ =	shalt  }
0x6b: {  	_ =	shalt  }
0x6c: {  	_ =	shalt  }
0x6d: {  	_ =	shalt  }
0x6e: {  	_ =	shalt  }
0x6f: {  	_ =	shalt  }
0x70: {  	_ =	shalt  }
0x71: {  	_ =	shalt  }
0x72: {  	_ =	shalt  }
0x73: {  	_ =	shalt  }
0x74: {  	_ =	shalt  }
0x75: {  	_ =	shalt  }
0x76: {  	_ =	shalt  }
0x77: {  	_ =	shalt  }
0x78: {  	_ =	shalt  }
0x79: {  	_ =	shalt  }
0x7a: {  	_ =	shalt  }
0x7b: {  	_ =	shalt  }
0x7c: {  	_ =	shalt  }
0x7d: {  	_ =	shalt  }
0x7e: {  	_ =	shalt  }
0x7f: {  	_ =	shalt  }
0x80: {  	_ =	shalt  }
0x81: {  	_ =	shalt  }
0x82: {  	_ =	shalt  }
0x83: {  	_ =	shalt  }
0x84: {  	_ =	shalt  }
0x85: {  	_ =	shalt  }
0x86: {  	_ =	shalt  }
0x87: {  	_ =	shalt  }
.Lfunc_end0:
.L_simem_size_0:
called_computation_lowered:
.L_overlay_start_0:
0x88: {  	s2 =	sld [smem:$0x3FD9]  }
0x89: {  	s3 =	sld [smem:$0x3FFE];
	_ =	sdelay $0x1  }
0x8a: {  	s1 =	srdreg.scid  }
0x8b: {  	s0 =	sand.u32 $0x1, s1  }
0x8c: {  	s17 =	sshll.u32 s0, $0xA;
	s2 =	sadd.s32 s3, s2  }
0x8d: {  	s2 =	sadd.s32 s2, s17  }
0x8e: {  	[smem:$0x3FBF] =	sst s2  }
0x8f: {  	_ = 	snop  }
0x90: {  	s2 =	sld [smem:$0x3FD0];
	(tm) =	ssettm $0x1  }
0x91: {  	s18 =	sld [smem:$0x3FFB];
	_ =	sdelay $0x3  }
0x92: {  	_ =	strace s18  }
0x93: {  	s3 =	sld [smem:$0x3FFC];
	_ =	sdelay $0x3  }
0x94: {  	_ =	strace s3  }
0x95: {  	s3 =	sld [smem:$0x3FFD];
	_ =	sdelay $0x3  }
0x96: {  	_ =	strace s3  }
0x97: {  	_ =	strace $0x8FFFFFFF  }
0x98: {  	s19 =	sld [smem:$0x3FDB];
	_ =	sdelay $0x1  }
0x99: {  	s4 =	simm.s32 $_scs_section_size  }
0x9a: {  	s5 =	simm.s32 $_size__tile_overlayer_lowered;
	s6 =	simm.s32 $_tile_overlayer_lowered  }
0x9b: {  	s22 =	simm.s32 $0x1BFF;
	s21 =	sshll.u32 s6, $0x1;
	s3 =	sadd.s32 s4, s19  }
0x9c: {  	s7 =	simm.s32 $0x0;
	s20 =	sshll.u32 s5, $0x1;
	s5 =	sadd.s32 s21, s3  }
0x9d: {  	[timem:s7], [sflag:s22] =	dma.local [hbm:s5], s20  }
0x9e: {  	_ =	swait.ge [sflag:s22], s20  }
0x9f: {  	s4 =	ssub.s32 $0x0, s20;
	[sflag:s22] =	ssyncset.done $0x0  }
0xa0: {  	[sflag:s22] =	ssyncadd.s32 s4;
	_ =	sdelay $0x1  }
0xa1: {  	s23 =	simm.s32 $0x1B8B  }
0xa2: {  	_ =	swait.ge [sflag:s23], $0x1  }
0xa3: {  	[sflag:s23] =	ssyncset.done $0x0  }
0xa4: {  	s25 =	simm.s32 $0x1B8E;
	s24 =	sld [smem:$0x3FFE];
	[sflag:s23] =	ssyncadd.s32 $0xFFFFFFFF  }
0xa5: {  	s26 =	simm.s32 $execute0_lowered;
	[smem:$0x3FD2] =	sst s25  }
0xa6: {  	s5 =	sshll.u32 s26, $0x1;
	_ =	strace $0x80000046;
	[dreg:$0x1] =	wrdreg $0xFFFFFFFF  }
0xa7: {  	s28 =	simm.s32 $_size_execute0_lowered;
	s3 =	sadd.s32 s3, s5;
	[dreg:$0x0] =	wrdreg $0x0  }
0xa8: {  	s5 =	sshll.u32 s28, $0x1;
	[dreg:$0x2] =	wrdreg s3  }
0xa9: {  	[dreg:$0x3] =	wrdreg s5  }
0xaa: {  	[dreg:$0x4] =	wrdreg $0xC0  }
0xab: {  	_ =	task [dreg:s7], $0x5FFFF  }
0xac: {  	[dreg:$0x1] =	wrdreg $0xFFFFFFFF  }
0xad: {  	[dreg:$0x0] =	wrdreg $0x60  }
0xae: {  	[dreg:$0x2] =	wrdreg s2  }
0xaf: {  	[dreg:$0x3] =	wrdreg s24  }
0xb0: {  	[dreg:$0x4] =	wrdreg $0x0  }
0xb1: {  	[dreg:$0x5] =	wrdreg $0x9  }
0xb2: {  	_ =	task.clear_ibuf [dreg:s7], $0x6FFFF;
	_ =	strace $0x90000046  }
0xb3: {  	s29 =	simm.s32 $0x9;
	_ =	strace $0x80000048  }
0xb4: {  	_ =	swait.ge [sflag:s29], $0x1  }
0xb5: {  	[sflag:s29] =	ssyncadd.s32 $0xFFFFFFFF  }
0xb6: {  	_ =	strace $0x90000048  }
0xb7: {  	_ =	sfence  }
0xb8: {  	s30 =	sld [smem:$0x0];
	_ =	sdelay $0x2  }
0xb9: {  	s31 =	sshll.u32 s1, $0xD;
	s1 =	sshrl.u32 s1, $0x2  }
0xba: {  	s3 =	sand.u32 $0x4000, s31;
	s1 =	sadd.s32 s1, s30  }
0xbb: {  	s0 =	sor.u32 s3, s0;
	s1 =	sshll.u32 s1, $0x11  }
0xbc: {  	s0 =	sor.u32 s1, s0  }
0xbd: {  	s0 =	sadd.s32 $0x8F2B, s0  }
0xbe: {  	[sflag:s0] =	ssyncadd.remote.s32 $0x1  }
0xbf: {  	_ =	sfence.sel $0xFFFF  }
0xc0: {  	[dreg:$0x0] =	wrdreg $0xFFFFFFFF;
	(pc) =	sbr.abs _section_cstart, $3  }
0xc1: {  	[dreg:$0x1] =	wrdreg $0xFFFFFFFF  }
0xc2: {  	_ =	task.clear_ibuf [dreg:s7], $0x2FFFF;
	_ =	strace $0x9FFFFFFF  }
0xc3: {  	(tm) =	ssettm $0x7FFFFFFF  }
tec
execute0_lowered:
.L_overlay_start_1:
0x0: {  	(tag) =	ssettag $0x1  }
0x1: {  	s0 =	rddreg [dreg:$0x0]  }
0x2: {  	s1 =	rddreg [dreg:$0x1];
	s2 =	srdreg.scid  }
0x3: {  	s3 =	rddreg [dreg:$0x2];
	s10 =	stileid.u32  }
0x4: {  	s4 =	simm.s32 $0x0;
	s28 =	simm.s32 $0x13C00;
	s29 =	simm.s32 $0x50  }
0x5: {  	s30 =	simm.s32 $0x13E00;
	s31 =	simm.s32 $0x13D00;
	s12 =	simm.s32 $0x2  }
0x6: {  	s13 =	simm.s32 $0x0;
	s2 =	sand.u32 $0x1, s2;
	s6 =	smul.u32 $0x13C00, s10  }
0x7: {  	s5 =	smul.u32 $0x13C000, s2;
	s17 =	ssub.s32 $0x2, s2;
	s2 =	sshll.u32 s2, $0x4  }
0x8: {  	[smem:$0x7FF] =	sst s4;
	s8 =	smul.u32 $0x4F000, s10;
	s2 =	sor.u32 s10, s2  }
0x9: {  	_ =	strace $0x80000047;
	s9 =	sshrl.u32 s17, $0x1;
	s10 =	smul.u32 $0x2710, s2  }
0xa: {  	s8 =	sshrl.u32 s8, $0x2;
	s6 =	sadd.s32 s6, s5;
	s2 =	smul.u32 $0x27100, s2  }
0xb: {  	s5 =	sadd.s32 $0x15400, s1;
	s7 =	sshrl.u32 s6, $0x3;
	s6 =	sadd.s32 $0x1A00, s1  }
0xc: {  	s1 =	sadd.s32 s7, s1;
	s7 =	sadd.s32 s8, s3;
	s2 =	sadd.s32 s5, s2  }
0xd: {  	s9 =	ssub.s32 s17, s9;
	s8 =	sadd.s32 $0x2780, s7;
	[dreg:$0xb] =	wrdreg s2  }
0xe: {  	s15 =	sadd.s32 $0x4E200, s10;
	s18 =	sadd.s32 $0x4F00, s7;
	[dreg:$0x4] =	wrdreg s8  }
0xf: {  	s24 =	sshrl.u32 s10, $0x3;
	s19 =	sadd.s32 $0x7680, s7;
	[dreg:$0x5] =	wrdreg s18  }
0x10: {  	s20 =	sadd.s32 $0x9E00, s7;
	s21 =	sadd.s32 $0xC580, s7;
	[dreg:$0x6] =	wrdreg s19  }
0x11: {  	s22 =	sadd.s32 $0xED00, s7;
	s23 =	sadd.s32 $0x11480, s7;
	[dreg:$0x7] =	wrdreg s20  }
0x12: {  	s11 =	sshrl.u32 s15, $0x3;
	s17 =	sadd.s32 s6, s24;
	[dreg:$0x8] =	wrdreg s21  }
0x13: {  	s1 =	sadd.s32 $0x4F7400, s1;
	s24 =	smax.u32 s9, $0x1;
	[dreg:$0x9] =	wrdreg s22  }
0x14: {  	s2 =	simm.s32 $0x1;
	s9 =	simm.s32 $0x1B600;
	[dreg:$0xa] =	wrdreg s23  }
0x15: {  	s25 =	sadd.s32 s6, s11;
	s26 =	sadd.s32 $0xA, s17;
	s21 =	sadd.s32 $0xA0, s10  }
0x16: {  	s22 =	sadd.s32 $0xF0, s10;
	[dreg:$0xe] =	wrdreg s1;
	s1 =	simm.s32 $0x13C80  }
0x17: {  	s8 =	simm.s32 $0x16600;
	s11 =	simm.s32 $0x13D80;
	[dreg:$0xc] =	wrdreg s25  }
0x18: {  	v0 =	vimm.f32 $0.0e+00;
	[dreg:$0xd] =	wrdreg s26;
	s25 =	simm.s32 $0x18E00;
	s26 =	simm.s32 $0x3  }
.LBB2_1:
0x19: {  	s14 =	simm.s32 $0x0;
	s16 =	simm.s32 $0x200  }
.LBB2_2:
0x1a: {  	p0 =	sne.s32 s16, $0x9C00;
	[tilespmem:s14+$0x18E70] =	vst v0  }
0x1b: {  	[tilespmem:s14+$0x18E00] =	vst v0  }
0x1c: {  	[tilespmem:s14+$0x18E10] =	vst v0  }
.Ltmp0:
0x1d: {  	[tilespmem:s14+$0x18E20] =	vst v0;
	(pc) =	sbr.rel @p0 .LBB2_2-.Ltmp0, $4  }
0x1e: {  	[tilespmem:s14+$0x18E30] =	vst v0  }
0x1f: {  	[tilespmem:s14+$0x18E40] =	vst v0  }
0x20: {  	[tilespmem:s14+$0x18E50] =	vst v0  }
0x21: {  	[tilespmem:s14+$0x18E60] =	vst v0;
	s14 =	sshra.s32 s16, $0x2;
	s16 =	sadd.s32 $0x200, s16  }
0x22: {  	[tilespmem:s14+$0x18E70] =	vst v0  }
0x23: {  	[tilespmem:s14+$0x18E00] =	vst v0  }
0x24: {  	[tilespmem:s14+$0x18E10] =	vst v0  }
0x25: {  	[tilespmem:s14+$0x18E20] =	vst v0  }
0x26: {  	[tilespmem:s14+$0x18E30] =	vst v0  }
0x27: {  	[tilespmem:s14+$0x18E40] =	vst v0  }
0x28: {  	[tilespmem:s14+$0x18E50] =	vst v0  }
0x29: {  	[tilespmem:s14+$0x18E60] =	vst v0  }
0x2a: {  	[spmem:s7] =	stream.linear.scatter [tilespmem:s25], [sflag:$0x3], $0x2780, $0x38;
	[tilespmem:$0x1DE00] =	vst v63  }
0x2b: {  	_ =	swait.ge [sflag:s26], $0x2780  }
0x2c: {  	[sflag:s26] =	ssyncset.done $0x0  }
0x2d: {  	s18 =	rddreg [dreg:$0x4];
	[sflag:s26] =	ssyncadd.s32 $0xFFFFD880  }
0x2e: {  	[spmem:s18] =	stream.linear.scatter [tilespmem:s25], [sflag:$0x3], $0x2780, $0x38;
	[tilespmem:$0x1DE00] =	vst v63  }
0x2f: {  	_ =	swait.ge [sflag:s26], $0x2780  }
0x30: {  	[sflag:s26] =	ssyncset.done $0x0  }
0x31: {  	s19 =	rddreg [dreg:$0x5];
	[sflag:s26] =	ssyncadd.s32 $0xFFFFD880  }
0x32: {  	[spmem:s19] =	stream.linear.scatter [tilespmem:s25], [sflag:$0x3], $0x2780, $0x38;
	[tilespmem:$0x1DE00] =	vst v63  }
0x33: {  	_ =	swait.ge [sflag:s26], $0x2780  }
0x34: {  	[sflag:s26] =	ssyncset.done $0x0  }
0x35: {  	s20 =	rddreg [dreg:$0x6];
	[sflag:s26] =	ssyncadd.s32 $0xFFFFD880  }
0x36: {  	[spmem:s20] =	stream.linear.scatter [tilespmem:s25], [sflag:$0x3], $0x2780, $0x38;
	[tilespmem:$0x1DE00] =	vst v63  }
0x37: {  	_ =	swait.ge [sflag:s26], $0x2780  }
0x38: {  	[sflag:s26] =	ssyncset.done $0x0  }
0x39: {  	s23 =	rddreg [dreg:$0x7];
	[sflag:s26] =	ssyncadd.s32 $0xFFFFD880  }
0x3a: {  	[spmem:s23] =	stream.linear.scatter [tilespmem:s25], [sflag:$0x3], $0x2780, $0x38;
	[tilespmem:$0x1DE00] =	vst v63  }
0x3b: {  	_ =	swait.ge [sflag:s26], $0x2780  }
0x3c: {  	[sflag:s26] =	ssyncset.done $0x0  }
0x3d: {  	s16 =	rddreg [dreg:$0x8];
	[sflag:s26] =	ssyncadd.s32 $0xFFFFD880  }
0x3e: {  	[spmem:s16] =	stream.linear.scatter [tilespmem:s25], [sflag:$0x3], $0x2780, $0x38;
	[tilespmem:$0x1DE00] =	vst v63  }
0x3f: {  	_ =	swait.ge [sflag:s26], $0x2780  }
0x40: {  	[sflag:s26] =	ssyncset.done $0x0  }
0x41: {  	s18 =	rddreg [dreg:$0x9];
	[sflag:s26] =	ssyncadd.s32 $0xFFFFD880  }
0x42: {  	[spmem:s18] =	stream.linear.scatter [tilespmem:s25], [sflag:$0x3], $0x2780, $0x38;
	[tilespmem:$0x1DE00] =	vst v63  }
0x43: {  	_ =	swait.ge [sflag:s26], $0x2780  }
0x44: {  	[sflag:s26] =	ssyncset.done $0x0  }
0x45: {  	s19 =	rddreg [dreg:$0xa];
	[sflag:s26] =	ssyncadd.s32 $0xFFFFD880  }
0x46: {  	[spmem:s19] =	stream.linear.scatter [tilespmem:s25], [sflag:$0x3], $0x2780, $0x38;
	[tilespmem:$0x1DE00] =	vst v63  }
0x47: {  	_ =	swait.ge [sflag:s26], $0x2780  }
0x48: {  	[sflag:s26] =	ssyncset.done $0x0  }
0x49: {  	[sflag:s26] =	ssyncadd.s32 $0xFFFFD880  }
0x4a: {  	s14 =	simm.s32 $0x0;
	[bflag:$0x0] =	sbarrier.arrive $0xFFFF  }
0x4b: {  	[tilespmem:s28], [sflag:$0x3] =	stream.linear.gather [hbm4b:s17+s14], $0x50, $0x38;
	[tilespmem:$0x1DE00] =	vst v63  }
0x4c: {  	_ =	swait.ge [sflag:s26], $0x50  }
0x4d: {  	[sflag:s26] =	ssyncset.done $0x0  }
0x4e: {  	[sflag:s26] =	ssyncadd.s32 $0xFFFFFFB0  }
0x4f: {  	[tilespmem:s30], [sflag:$0x1] =	stream.indirect.gather [hbm4b:s0+s29], $0x80, s28, s29, $0xb8;
	[tilespmem:$0x1DE00] =	vst v63  }
0x50: {  	s16 =	rddreg [dreg:$0xb]  }
0x51: {  	[tilespmem:s25], [sflag:$0x1] =	stream.linear.gather [hbm4b:s16+s14], $0x2800, $0x38;
	[tilespmem:$0x1DE00] =	vst v63  }
0x52: {  	s20 =	rddreg [dreg:$0xc]  }
0x53: {  	[tilespmem:s31], [sflag:$0x1] =	stream.linear.gather [hbm4b:s20+s14], $0x50, $0x38;
	[tilespmem:$0x1DE00] =	vst v63  }
0x54: {  	s23 =	rddreg [dreg:$0xd];
	s16 =	simm.s32 $0x0  }
0x55: {  	[tilespmem:s1], [sflag:$0x1] =	stream.linear.gather [hbm4b:s23+s14], $0x50, $0x38;
	[tilespmem:$0x1DE00] =	vst v63  }
.LBB2_4:
0x56: {  	_ =	swait.ge [sflag:s2], $0x2800  }
0x57: {  	[sflag:s2] =	ssyncset.done $0x0  }
0x58: {  	[sflag:s2] =	ssyncadd.s32 $0xFFFFD800  }
0x59: {  	_ =	swait.ge [sflag:s2], $0x2800  }
0x5a: {  	[sflag:s2] =	ssyncset.done $0x0  }
0x5b: {  	[sflag:s2] =	ssyncadd.s32 $0xFFFFD800  }
0x5c: {  	_ =	swait.ge [sflag:s2], $0x50  }
0x5d: {  	s18 =	smul.u32 $0xA0, s16;
	[sflag:s2] =	ssyncset.done $0x0  }
0x5e: {  	[sflag:s2] =	ssyncadd.s32 $0xFFFFFFB0  }
0x5f: {  	s19 =	sadd.s32 $0x50, s18;
	_ =	swait.ge [sflag:s2], $0x50  }
0x60: {  	s20 =	sadd.s32 s10, s19;
	[sflag:s2] =	ssyncset.done $0x0  }
0x61: {  	s19 =	sadd.s32 s15, s19;
	s20 =	sshll.u32 s20, $0x4;
	[sflag:s2] =	ssyncadd.s32 $0xFFFFFFB0  }
0x62: {  	[tilespmem:s8], [sflag:$0x2] =	stream.indirect.gather [hbm4b:s0+s29], $0x80, s1, s29, $0xb8;
	[tilespmem:$0x1DE00] =	vst v63  }
0x63: {  	s19 =	sshrl.u32 s19, $0x3;
	s20 =	sadd.s32 s5, s20  }
0x64: {  	[tilespmem:s9], [sflag:$0x2] =	stream.linear.gather [hbm4b:s20+s14], $0x2800, $0x38;
	[tilespmem:$0x1DE00] =	vst v63  }
0x65: {  	s23 =	sadd.s32 s18, s21;
	s19 =	sadd.s32 s6, s19  }
0x66: {  	[tilespmem:s11], [sflag:$0x2] =	stream.linear.gather [hbm4b:s19+s14], $0x50, $0x38;
	[tilespmem:$0x1DE00] =	vst v63  }
0x67: {  	s19 =	sshrl.u32 s23, $0x3  }
0x68: {  	s19 =	sadd.s32 s6, s19  }
0x69: {  	[tilespmem:s28], [sflag:$0x2] =	stream.linear.gather [hbm4b:s19+s14], $0x50, $0x38;
	[tilespmem:$0x1DE00] =	vst v63  }
0x6a: {  	s19 =	simm.s32 $0x0  }
0x6b: {  	v7 =	vld [tilespmem:s19+$0x18E00]  }
0x6c: {  	v12 =	vld [tilespmem:s19+$0x18E10]  }
0x6d: {  	v6 =	vld [tilespmem:s19+$0x18E20]  }
0x6e: {  	v5 =	vld [tilespmem:s19+$0x18E30]  }
0x6f: {  	v4 =	vld [tilespmem:s19+$0x18E40]  }
0x70: {  	v3 =	vld [tilespmem:s19+$0x18E50]  }
0x71: {  	v2 =	vld [tilespmem:s19+$0x18E60]  }
0x72: {  	v1 =	vld [tilespmem:s19+$0x18E70]  }
0x73: {  	v13 =	vld [tilespmem:s19+$0x13E00]  }
0x74: {  	v14 =	vld [tilespmem:s19+$0x13E10]  }
0x75: {  	v11 =	vld [tilespmem:s19+$0x13E20]  }
0x76: {  	v10 =	vld [tilespmem:s19+$0x13E30]  }
0x77: {  	v9 =	vld [tilespmem:s19+$0x13E40]  }
0x78: {  	v8 =	vld [tilespmem:s19+$0x13E50];
	v13 =	vadd.f32 v7, v13  }
0x79: {  	s20 =	simm.s32 $0x200;
	v12 =	vadd.f32 v12, v14;
	v7 =	vld [tilespmem:s19+$0x13E60]  }
.LBB2_5:
0x7a: {  	s23 =	sshra.s32 s20, $0x2;
	p0 =	sne.s32 s20, $0x9E00;
	v13 =	vmax.f32 v13, $0.0e+00;
	v6 =	vadd.f32 v6, v11;
	v11 =	vld [tilespmem:s19+$0x13E70]  }
0x7b: {  	v14 =	vld [tilespmem:s23+$0x18E00];
	[tilespmem:s19+$0x13E00] =	vst v13;
	v12 =	vmax.f32 v12, $0.0e+00;
	v5 =	vadd.f32 v5, v10  }
0x7c: {  	v15 =	vld [tilespmem:s23+$0x18E10];
	[tilespmem:s19+$0x13E10] =	vst v12;
	v10 =	vmax.f32 v6, $0.0e+00;
	v4 =	vadd.f32 v4, v9  }
0x7d: {  	v6 =	vld [tilespmem:s23+$0x18E20];
	[tilespmem:s19+$0x13E20] =	vst v10;
	v9 =	vmax.f32 v5, $0.0e+00;
	v3 =	vadd.f32 v3, v8  }
0x7e: {  	v5 =	vld [tilespmem:s23+$0x18E30];
	[tilespmem:s19+$0x13E30] =	vst v9;
	v8 =	vmax.f32 v4, $0.0e+00;
	v2 =	vadd.f32 v2, v7  }
0x7f: {  	v4 =	vld [tilespmem:s23+$0x18E40];
	[tilespmem:s19+$0x13E40] =	vst v8;
	v7 =	vmax.f32 v3, $0.0e+00;
	v1 =	vadd.f32 v1, v11  }
0x80: {  	v3 =	vld [tilespmem:s23+$0x18E50];
	[tilespmem:s19+$0x13E50] =	vst v7;
	v7 =	vmax.f32 v2, $0.0e+00  }
0x81: {  	v2 =	vld [tilespmem:s23+$0x18E60];
	[tilespmem:s19+$0x13E60] =	vst v7;
	v7 =	vmax.f32 v1, $0.0e+00  }
0x82: {  	v1 =	vld [tilespmem:s23+$0x18E70];
	[tilespmem:s19+$0x13E70] =	vst v7;
	s19 =	smov.u32 s23  }
0x83: {  	v7 =	vld [tilespmem:s19+$0x13E00]  }
0x84: {  	v12 =	vld [tilespmem:s19+$0x13E10]  }
.Ltmp1:
0x85: {  	v11 =	vld [tilespmem:s19+$0x13E20];
	(pc) =	sbr.rel @p0 .LBB2_5-.Ltmp1, $4  }
0x86: {  	v10 =	vld [tilespmem:s19+$0x13E30]  }
0x87: {  	v9 =	vld [tilespmem:s19+$0x13E40]  }
0x88: {  	v13 =	vadd.f32 v14, v7;
	v8 =	vld [tilespmem:s19+$0x13E50]  }
0x89: {  	s20 =	sadd.s32 $0x200, s20;
	v12 =	vadd.f32 v15, v12;
	v7 =	vld [tilespmem:s19+$0x13E60]  }
0x8a: {  	v13 =	vmax.f32 v13, $0.0e+00;
	v6 =	vadd.f32 v6, v11;
	v11 =	vld [tilespmem:s19+$0x13E70]  }
0x8b: {  	[tilespmem:s19+$0x13E00] =	vst v13;
	v12 =	vmax.f32 v12, $0.0e+00;
	v5 =	vadd.f32 v5, v10  }
0x8c: {  	[tilespmem:s19+$0x13E10] =	vst v12;
	v6 =	vmax.f32 v6, $0.0e+00;
	v4 =	vadd.f32 v4, v9  }
0x8d: {  	[tilespmem:s19+$0x13E20] =	vst v6;
	v5 =	vmax.f32 v5, $0.0e+00;
	v3 =	vadd.f32 v3, v8  }
0x8e: {  	[tilespmem:s19+$0x13E30] =	vst v5;
	v4 =	vmax.f32 v4, $0.0e+00;
	v2 =	vadd.f32 v2, v7  }
0x8f: {  	[tilespmem:s19+$0x13E40] =	vst v4;
	v3 =	vmax.f32 v3, $0.0e+00;
	v1 =	vadd.f32 v1, v11  }
0x90: {  	[tilespmem:s19+$0x13E50] =	vst v3;
	v2 =	vmax.f32 v2, $0.0e+00  }
0x91: {  	[tilespmem:s19+$0x13E60] =	vst v2;
	v1 =	vmax.f32 v1, $0.0e+00  }
0x92: {  	[tilespmem:s19+$0x13E70] =	vst v1  }
0x93: {  	[spmem:s3] =	stream.indirect.scatter.add.f32 [tilespmem:s30], [sflag:$0x3], $0x80, s31, s29, $0xb8;
	[tilespmem:$0x1DE00] =	vst v63  }
0x94: {  	_ =	swait.ge [sflag:s26], $0x2800  }
0x95: {  	[sflag:s26] =	ssyncset.done $0x0  }
0x96: {  	[sflag:s26] =	ssyncadd.s32 $0xFFFFD800  }
0x97: {  	_ =	swait.ge [sflag:s12], $0x2800  }
0x98: {  	[sflag:s12] =	ssyncset.done $0x0  }
0x99: {  	[sflag:s12] =	ssyncadd.s32 $0xFFFFD800  }
0x9a: {  	_ =	swait.ge [sflag:s12], $0x2800  }
0x9b: {  	[sflag:s12] =	ssyncset.done $0x0  }
0x9c: {  	[sflag:s12] =	ssyncadd.s32 $0xFFFFD800  }
0x9d: {  	_ =	swait.ge [sflag:s12], $0x50  }
0x9e: {  	[sflag:s12] =	ssyncset.done $0x0  }
0x9f: {  	[sflag:s12] =	ssyncadd.s32 $0xFFFFFFB0  }
0xa0: {  	s23 =	sadd.s32 $0xA0, s18;
	_ =	swait.ge [sflag:s12], $0x50  }
0xa1: {  	p0 =	seq.s32 s16, $0x3D;
	s20 =	sadd.s32 s10, s23;
	[sflag:s12] =	ssyncset.done $0x0  }
0xa2: {  	s20 =	sshll.u32 s20, $0x4;
	s19 =	sadd.s32 s15, s23;
	[sflag:s12] =	ssyncadd.s32 $0xFFFFFFB0  }
0xa3: {  	[tilespmem:s30], [sflag:$0x1] =	stream.indirect.gather [hbm4b:s0+s29], $0x80, s28, s29, $0xb8;
	[tilespmem:$0x1DE00] =	vst v63  }
0xa4: {  	s18 =	sadd.s32 @!p0 s18, s22;
	s20 =	sadd.s32 s5, s20;
	s19 =	sshrl.u32 s19, $0x3  }
0xa5: {  	[tilespmem:s25], [sflag:$0x1] =	stream.linear.gather [hbm4b:s20+s4], $0x2800, $0x38;
	[tilespmem:$0x1DE00] =	vst v63  }
0xa6: {  	s18 =	sshrl.u32 @!p0 s18, $0x3;
	s19 =	sadd.s32 s6, s19  }
0xa7: {  	[tilespmem:s31], [sflag:$0x1] =	stream.linear.gather [hbm4b:s19+s4], $0x50, $0x38;
	[tilespmem:$0x1DE00] =	vst v63  }
0xa8: {  	s18 =	sadd.s32 @!p0 s6, s18;
	s20 =	simm.s32 @!p0 $0x13C80;
	s19 =	simm.s32 @!p0 $0x0  }
0xa9: {  	[tilespmem:s20], [sflag:$0x1] =	stream.linear.gather @!p0 [hbm4b:s18+s19], $0x50, $0x38;
	[tilespmem:$0x1DE00] =	vst v63  }
0xaa: {  	s18 =	simm.s32 $0x0  }
0xab: {  	v7 =	vld [tilespmem:s18+$0x1B600]  }
0xac: {  	v12 =	vld [tilespmem:s18+$0x1B610]  }
0xad: {  	v6 =	vld [tilespmem:s18+$0x1B620]  }
0xae: {  	v5 =	vld [tilespmem:s18+$0x1B630]  }
0xaf: {  	v4 =	vld [tilespmem:s18+$0x1B640]  }
0xb0: {  	v3 =	vld [tilespmem:s18+$0x1B650]  }
0xb1: {  	v2 =	vld [tilespmem:s18+$0x1B660]  }
0xb2: {  	v1 =	vld [tilespmem:s18+$0x1B670]  }
0xb3: {  	v13 =	vld [tilespmem:s18+$0x16600]  }
0xb4: {  	v14 =	vld [tilespmem:s18+$0x16610]  }
0xb5: {  	v11 =	vld [tilespmem:s18+$0x16620]  }
0xb6: {  	v10 =	vld [tilespmem:s18+$0x16630]  }
0xb7: {  	v9 =	vld [tilespmem:s18+$0x16640]  }
0xb8: {  	v8 =	vld [tilespmem:s18+$0x16650];
	v13 =	vadd.f32 v7, v13  }
0xb9: {  	s19 =	simm.s32 $0x200;
	v12 =	vadd.f32 v12, v14;
	v7 =	vld [tilespmem:s18+$0x16660]  }
.LBB2_7:
0xba: {  	s20 =	sshra.s32 s19, $0x2;
	p0 =	sne.s32 s19, $0x9E00;
	v13 =	vmax.f32 v13, $0.0e+00;
	v6 =	vadd.f32 v6, v11;
	v11 =	vld [tilespmem:s18+$0x16670]  }
0xbb: {  	v14 =	vld [tilespmem:s20+$0x1B600];
	[tilespmem:s18+$0x16600] =	vst v13;
	v12 =	vmax.f32 v12, $0.0e+00;
	v5 =	vadd.f32 v5, v10  }
0xbc: {  	v15 =	vld [tilespmem:s20+$0x1B610];
	[tilespmem:s18+$0x16610] =	vst v12;
	v10 =	vmax.f32 v6, $0.0e+00;
	v4 =	vadd.f32 v4, v9  }
0xbd: {  	v6 =	vld [tilespmem:s20+$0x1B620];
	[tilespmem:s18+$0x16620] =	vst v10;
	v9 =	vmax.f32 v5, $0.0e+00;
	v3 =	vadd.f32 v3, v8  }
0xbe: {  	v5 =	vld [tilespmem:s20+$0x1B630];
	[tilespmem:s18+$0x16630] =	vst v9;
	v8 =	vmax.f32 v4, $0.0e+00;
	v2 =	vadd.f32 v2, v7  }
0xbf: {  	v4 =	vld [tilespmem:s20+$0x1B640];
	[tilespmem:s18+$0x16640] =	vst v8;
	v7 =	vmax.f32 v3, $0.0e+00;
	v1 =	vadd.f32 v1, v11  }
0xc0: {  	v3 =	vld [tilespmem:s20+$0x1B650];
	[tilespmem:s18+$0x16650] =	vst v7;
	v7 =	vmax.f32 v2, $0.0e+00  }
0xc1: {  	v2 =	vld [tilespmem:s20+$0x1B660];
	[tilespmem:s18+$0x16660] =	vst v7;
	v7 =	vmax.f32 v1, $0.0e+00  }
0xc2: {  	v1 =	vld [tilespmem:s20+$0x1B670];
	[tilespmem:s18+$0x16670] =	vst v7;
	s18 =	smov.u32 s20  }
0xc3: {  	v7 =	vld [tilespmem:s18+$0x16600]  }
0xc4: {  	v12 =	vld [tilespmem:s18+$0x16610]  }
.Ltmp2:
0xc5: {  	v11 =	vld [tilespmem:s18+$0x16620];
	(pc) =	sbr.rel @p0 .LBB2_7-.Ltmp2, $4  }
0xc6: {  	v10 =	vld [tilespmem:s18+$0x16630]  }
0xc7: {  	v9 =	vld [tilespmem:s18+$0x16640]  }
0xc8: {  	v13 =	vadd.f32 v14, v7;
	v8 =	vld [tilespmem:s18+$0x16650]  }
0xc9: {  	s19 =	sadd.s32 $0x200, s19;
	v12 =	vadd.f32 v15, v12;
	v7 =	vld [tilespmem:s18+$0x16660]  }
0xca: {  	v13 =	vmax.f32 v13, $0.0e+00;
	v6 =	vadd.f32 v6, v11;
	v63 =	vld [tilespmem:s18+$0x16670]  }
0xcb: {  	[tilespmem:s18+$0x16600] =	vst v13;
	v12 =	vmax.f32 v12, $0.0e+00;
	v5 =	vadd.f32 v5, v10  }
0xcc: {  	[tilespmem:s18+$0x16610] =	vst v12;
	v6 =	vmax.f32 v6, $0.0e+00;
	v4 =	vadd.f32 v4, v9  }
0xcd: {  	[tilespmem:s18+$0x16620] =	vst v6;
	v5 =	vmax.f32 v5, $0.0e+00;
	v3 =	vadd.f32 v3, v8  }
0xce: {  	[tilespmem:s18+$0x16630] =	vst v5;
	v4 =	vmax.f32 v4, $0.0e+00;
	v2 =	vadd.f32 v2, v7  }
0xcf: {  	[tilespmem:s18+$0x16640] =	vst v4;
	v3 =	vmax.f32 v3, $0.0e+00;
	v1 =	vadd.f32 v1, v63  }
0xd0: {  	s16 =	sadd.s32 $0x1, s16;
	[tilespmem:s18+$0x16650] =	vst v3;
	v2 =	vmax.f32 v2, $0.0e+00  }
0xd1: {  	p0 =	sne.s32 s16, $0x3E;
	[tilespmem:s18+$0x16660] =	vst v2;
	v1 =	vmax.f32 v1, $0.0e+00  }
.Ltmp3:
0xd2: {  	[tilespmem:s18+$0x16670] =	vst v1;
	(pc) =	sbr.rel @p0 .LBB2_4-.Ltmp3, $4  }
0xd3: {  	[spmem:s3] =	stream.indirect.scatter.add.f32 [tilespmem:s8], [sflag:$0x3], $0x80, s11, s29, $0xb8;
	[tilespmem:$0x1DE00] =	vst v63  }
0xd4: {  	_ =	swait.ge [sflag:s26], $0x2800  }
0xd5: {  	[sflag:s26] =	ssyncset.done $0x0  }
0xd6: {  	[sflag:s26] =	ssyncadd.s32 $0xFFFFD800  }
0xd7: {  	_ =	swait.ge [sflag:s2], $0x2800  }
0xd8: {  	[sflag:s2] =	ssyncset.done $0x0  }
0xd9: {  	[sflag:s2] =	ssyncadd.s32 $0xFFFFD800  }
0xda: {  	_ =	swait.ge [sflag:s2], $0x2800  }
0xdb: {  	[sflag:s2] =	ssyncset.done $0x0  }
0xdc: {  	[sflag:s2] =	ssyncadd.s32 $0xFFFFD800  }
0xdd: {  	_ =	swait.ge [sflag:s2], $0x50  }
0xde: {  	[sflag:s2] =	ssyncset.done $0x0  }
0xdf: {  	s14 =	simm.s32 $0x0;
	[sflag:s2] =	ssyncadd.s32 $0xFFFFFFB0  }
0xe0: {  	v7 =	vld [tilespmem:s14+$0x18E00]  }
0xe1: {  	v12 =	vld [tilespmem:s14+$0x18E10]  }
0xe2: {  	v6 =	vld [tilespmem:s14+$0x18E20]  }
0xe3: {  	v5 =	vld [tilespmem:s14+$0x18E30]  }
0xe4: {  	v4 =	vld [tilespmem:s14+$0x18E40]  }
0xe5: {  	v3 =	vld [tilespmem:s14+$0x18E50]  }
0xe6: {  	v2 =	vld [tilespmem:s14+$0x18E60]  }
0xe7: {  	v1 =	vld [tilespmem:s14+$0x18E70]  }
0xe8: {  	v13 =	vld [tilespmem:s14+$0x13E00]  }
0xe9: {  	v14 =	vld [tilespmem:s14+$0x13E10]  }
0xea: {  	v11 =	vld [tilespmem:s14+$0x13E20]  }
0xeb: {  	v10 =	vld [tilespmem:s14+$0x13E30]  }
0xec: {  	v9 =	vld [tilespmem:s14+$0x13E40]  }
0xed: {  	v8 =	vld [tilespmem:s14+$0x13E50];
	v13 =	vadd.f32 v7, v13  }
0xee: {  	s16 =	simm.s32 $0x200;
	v12 =	vadd.f32 v12, v14;
	v7 =	vld [tilespmem:s14+$0x13E60]  }
.LBB2_10:
0xef: {  	s18 =	sshra.s32 s16, $0x2;
	p0 =	sne.s32 s16, $0x9E00;
	v13 =	vmax.f32 v13, $0.0e+00;
	v6 =	vadd.f32 v6, v11;
	v11 =	vld [tilespmem:s14+$0x13E70]  }
0xf0: {  	v14 =	vld [tilespmem:s18+$0x18E00];
	[tilespmem:s14+$0x13E00] =	vst v13;
	v12 =	vmax.f32 v12, $0.0e+00;
	v5 =	vadd.f32 v5, v10  }
0xf1: {  	v15 =	vld [tilespmem:s18+$0x18E10];
	[tilespmem:s14+$0x13E10] =	vst v12;
	v10 =	vmax.f32 v6, $0.0e+00;
	v4 =	vadd.f32 v4, v9  }
0xf2: {  	v6 =	vld [tilespmem:s18+$0x18E20];
	[tilespmem:s14+$0x13E20] =	vst v10;
	v9 =	vmax.f32 v5, $0.0e+00;
	v3 =	vadd.f32 v3, v8  }
0xf3: {  	v5 =	vld [tilespmem:s18+$0x18E30];
	[tilespmem:s14+$0x13E30] =	vst v9;
	v8 =	vmax.f32 v4, $0.0e+00;
	v2 =	vadd.f32 v2, v7  }
0xf4: {  	v4 =	vld [tilespmem:s18+$0x18E40];
	[tilespmem:s14+$0x13E40] =	vst v8;
	v7 =	vmax.f32 v3, $0.0e+00;
	v1 =	vadd.f32 v1, v11  }
0xf5: {  	v3 =	vld [tilespmem:s18+$0x18E50];
	[tilespmem:s14+$0x13E50] =	vst v7;
	v7 =	vmax.f32 v2, $0.0e+00  }
0xf6: {  	v2 =	vld [tilespmem:s18+$0x18E60];
	[tilespmem:s14+$0x13E60] =	vst v7;
	v7 =	vmax.f32 v1, $0.0e+00  }
0xf7: {  	v1 =	vld [tilespmem:s18+$0x18E70];
	[tilespmem:s14+$0x13E70] =	vst v7;
	s14 =	smov.u32 s18  }
0xf8: {  	v7 =	vld [tilespmem:s14+$0x13E00]  }
0xf9: {  	v12 =	vld [tilespmem:s14+$0x13E10]  }
.Ltmp4:
0xfa: {  	v11 =	vld [tilespmem:s14+$0x13E20];
	(pc) =	sbr.rel @p0 .LBB2_10-.Ltmp4, $4  }
0xfb: {  	v10 =	vld [tilespmem:s14+$0x13E30]  }
0xfc: {  	v9 =	vld [tilespmem:s14+$0x13E40]  }
0xfd: {  	v13 =	vadd.f32 v14, v7;
	v8 =	vld [tilespmem:s14+$0x13E50]  }
0xfe: {  	s16 =	sadd.s32 $0x200, s16;
	v12 =	vadd.f32 v15, v12;
	v7 =	vld [tilespmem:s14+$0x13E60]  }
0xff: {  	v13 =	vmax.f32 v13, $0.0e+00;
	v6 =	vadd.f32 v6, v11;
	v63 =	vld [tilespmem:s14+$0x13E70]  }
0x100: {  	[tilespmem:s14+$0x13E00] =	vst v13;
	v12 =	vmax.f32 v12, $0.0e+00;
	v5 =	vadd.f32 v5, v10  }
0x101: {  	[tilespmem:s14+$0x13E10] =	vst v12;
	v6 =	vmax.f32 v6, $0.0e+00;
	v4 =	vadd.f32 v4, v9  }
0x102: {  	[tilespmem:s14+$0x13E20] =	vst v6;
	v5 =	vmax.f32 v5, $0.0e+00;
	v3 =	vadd.f32 v3, v8  }
0x103: {  	[tilespmem:s14+$0x13E30] =	vst v5;
	v4 =	vmax.f32 v4, $0.0e+00;
	v2 =	vadd.f32 v2, v7  }
0x104: {  	[tilespmem:s14+$0x13E40] =	vst v4;
	v3 =	vmax.f32 v3, $0.0e+00;
	v1 =	vadd.f32 v1, v63  }
0x105: {  	[tilespmem:s14+$0x13E50] =	vst v3;
	v2 =	vmax.f32 v2, $0.0e+00  }
0x106: {  	[tilespmem:s14+$0x13E60] =	vst v2;
	v1 =	vmax.f32 v1, $0.0e+00  }
0x107: {  	[tilespmem:s14+$0x13E70] =	vst v1  }
0x108: {  	[spmem:s3] =	stream.indirect.scatter.add.f32 [tilespmem:s30], [sflag:$0x3], $0x80, s31, s29, $0xb8;
	[tilespmem:$0x1DE00] =	vst v63  }
0x109: {  	_ =	swait.ge [sflag:s26], $0x2800  }
0x10a: {  	s23 =	stileid.u32;
	[sflag:s26] =	ssyncset.done $0x0  }
0x10b: {  	s16 =	sshrl.u32 s7, $0x3;
	s13 =	sadd.s32 $0x1, s13;
	[sflag:s26] =	ssyncadd.s32 $0xFFFFD800  }
0x10c: {  	p0 =	sne.s32 s13, s24;
	s14 =	sshll.u32 s23, $0x6;
	[bflag:$0x0] =	sbarrier.arrive $0xFFFF  }
.Ltmp5:
0x10d: {  	s14 =	sor.u32 $0x1C03, s14;
	s18 =	rddreg [dreg:$0xe];
	(pc) =	sbr.rel @p0 .LBB2_1-.Ltmp5, $4  }
0x10e: {  	[hbm:s18], [sflag:s14] =	dma.local [spmem:s16], $0x2780  }
0x10f: {  	_ =	swait.ge [sflag:s26], $0x2780  }
0x110: {  	[sflag:s26] =	ssyncset.done $0x0  }
0x111: {  	[sflag:s26] =	ssyncadd.s32 $0xFFFFD880  }
0x112: {  	_ =	sfence.sel $0x180000  }
0x113: {  	[bflag:$0x0] =	sbarrier.arrive $0xFFFF  }
0x114: {  	_ =	strace $0x90000047  }
0x115: {  	s0 =	stileid.u32;
	[bflag:$0x2] =	sbarrier.arrive $0xFFFF  }
0x116: {  	p0 =	sne.s32 s0, $0x0;
	s0 =	rddreg [dreg:$0x3]  }
0x117: {  	s0 =	sadd.s32 @!p0 $0x100000, s0  }
0x118: {  	[sflag:s0] =	ssyncadd.tile.s32 @!p0 $0x1;
	_ =	shalt  }
.Lfunc_end2:
_tile_overlayer_lowered:
.L_overlay_start_2:
0x119: {  	(tag) =	ssettag $0x2  }
0x11a: {  	s0 =	rddreg [dreg:$0x0];
	s2 =	stileid.u32  }
0x11b: {  	s1 =	rddreg [dreg:$0x1];
	p0 =	sne.s32 s2, $0x0  }
0x11c: {  	s3 =	rddreg [dreg:$0x2];
	[bflag:$0x3] =	sbarrier.arrive $0xFFFF;
	s2 =	simm.s32 @!p0 $0x1C03  }
0x11d: {  	[timem:s3], [sflag:s2] =	dma.local @!p0 [hbm:s0], s1  }
0x11e: {  	s0 =	simm.s32 @!p0 $0x3  }
0x11f: {  	_ =	swait.ge @!p0 [sflag:s0], s1  }
0x120: {  	s1 =	ssub.s32 @!p0 $0x0, s1;
	[sflag:s0] =	ssyncset.done @!p0 $0x0  }
0x121: {  	[sflag:s0] =	ssyncadd.s32 @!p0 s1  }
0x122: {  	[bflag:$0x3] =	sbarrier.arrive $0xFFFF  }
0x123: {  	_ =	shalt  }

</sc_bundles>
